<compile_context>
chip_gen: v7x
topology: tpu7x:2x2x1
jax: 0.10.2.dev20260603
libtpu: 0.0.44.dev20260713+nightly
codegen_flags: <defaults>
</compile_context>

<pallas_src>
import functools

import jax
import jax.numpy as jnp
from jax import lax
from jax.experimental import pallas as pl
from jax.experimental.pallas import tpu as pltpu
from jax.experimental.pallas import tpu_sc as plsc

_LANES = 16
_HIMASK = -65536


def _unpk(w):
    lo = plsc.bitcast(jnp.left_shift(w, 16), jnp.float32)
    hi = plsc.bitcast(jnp.bitwise_and(w, jnp.int32(_HIMASK)), jnp.float32)
    return lo, hi


def _pk(lo, hi):
    lw = lax.shift_right_logical(plsc.bitcast(lo, jnp.int32), 16)
    hw = jnp.bitwise_and(plsc.bitcast(hi, jnp.int32), jnp.int32(_HIMASK))
    return jnp.bitwise_or(lw, hw)


def _anyv(x):
    return plsc.all_reduce_population_count(x)[0] > 0


def _tf16(w):
    w16 = plsc.bitcast(w, jnp.int16)
    key = jnp.where(w16 < jnp.int16(0), w16 ^ jnp.int16(0x7FFF), w16)
    return plsc.bitcast(key, jnp.int32)


def _maxw(a, b):
    return plsc.bitcast(
        jnp.maximum(plsc.bitcast(a, jnp.int16), plsc.bitcast(b, jnp.int16)),
        jnp.int32,
    )


def _tc_node_body(x_ref, posT_ref, Wx_ref, Wp_ref, b_ref, uP_ref, vT_ref, p3T_ref):
    pz = posT_ref[0:1, :]
    phi = posT_ref[1:2, :]
    px = jnp.cos(phi)
    py = jnp.sin(phi)
    p3T_ref[...] = jnp.concatenate([px, py, pz], axis=0)
    Wp = Wp_ref[...]
    v = Wp[:, 0:1] * px + Wp[:, 1:2] * py + Wp[:, 2:3] * pz
    vT_ref[...] = v
    u = (
        lax.dot_general(
            Wx_ref[...],
            x_ref[...],
            (((1,), (1,)), ((), ())),
            preferred_element_type=jnp.float32,
        )
        + v
        + b_ref[...]
    )
    D = u.shape[0]
    H = D // 2
    lo = lax.bitcast_convert_type(u[:H].astype(jnp.bfloat16), jnp.uint16)
    hi = lax.bitcast_convert_type(u[H:].astype(jnp.bfloat16), jnp.uint16)
    packed = lo.astype(jnp.uint32) | (hi.astype(jnp.uint32) << 16)
    uP_ref[...] = lax.bitcast_convert_type(packed, jnp.int32)


def _node_transform(xp, posT, Wx, Wp, b2, NP, D, BN):
    grid = (NP // BN,)
    return pl.pallas_call(
        _tc_node_body,
        grid=grid,
        in_specs=[
            pl.BlockSpec((BN, D), lambda j: (j, 0)),
            pl.BlockSpec((2, BN), lambda j: (0, j)),
            pl.BlockSpec((D, D), lambda j: (0, 0)),
            pl.BlockSpec((D, 3), lambda j: (0, 0)),
            pl.BlockSpec((D, 1), lambda j: (0, 0)),
        ],
        out_specs=[
            pl.BlockSpec((D // 2, BN), lambda j: (0, j)),
            pl.BlockSpec((D, BN), lambda j: (0, j)),
            pl.BlockSpec((3, BN), lambda j: (0, j)),
        ],
        out_shape=[
            jax.ShapeDtypeStruct((D // 2, NP), jnp.int32),
            jax.ShapeDtypeStruct((D, NP), jnp.float32),
            jax.ShapeDtypeStruct((3, NP), jnp.float32),
        ],
    )(xp, posT, Wx, Wp, b2)


def _make_sc_edge(D, NP, E, CH, NC, NS):
    H = D // 2
    PPT = H // NS
    ES = E // NC
    U = 2
    mesh = plsc.VectorSubcoreMesh(
        core_axis_name="c", subcore_axis_name="s", num_cores=NC, num_subcores=NS
    )

    @functools.partial(
        pl.kernel,
        out_type=jax.ShapeDtypeStruct((NC * H * NP,), jnp.int32),
        mesh=mesh,
        compiler_params=pltpu.CompilerParams(needs_layout_passes=False),
        scratch_types=[
            pltpu.VMEM((PPT * NP,), jnp.int32),
            pltpu.VMEM((PPT * NP,), jnp.int32),
            pltpu.VMEM((CH,), jnp.int32),
            pltpu.VMEM((CH,), jnp.int32),
            pltpu.VMEM((CH,), jnp.int32),
            pltpu.VMEM((CH,), jnp.int32),
            pltpu.SemaphoreType.DMA,
            pltpu.SemaphoreType.DMA,
            pltpu.SemaphoreType.DMA,
            pltpu.SemaphoreType.DMA,
        ],
    )
    def agg(
        uP_hbm,
        src_hbm,
        dst_hbm,
        part_hbm,
        u_v,
        acc_v,
        src_a,
        src_b,
        dst_a,
        dst_b,
        sem_sa,
        sem_sb,
        sem_da,
        sem_db,
    ):
        shard = lax.axis_index("c")
        grp = lax.axis_index("s")
        fbase = grp * (PPT * NP)
        pltpu.sync_copy(uP_hbm.at[pl.ds(fbase, PPT * NP)], u_v)

        def tf_body(i, _):
            sl = pl.ds(i * _LANES, _LANES)
            k = _tf16(u_v[sl])
            u_v[sl] = k
            acc_v[sl] = k
            return 0

        lax.fori_loop(0, PPT * NP // _LANES, tf_body, 0)
        ebase = shard * ES

        def process(src_v, dst_v):
            def vec_body(i, _):
                idx_d, gw, aw = [], [], []
                for k in range(U):
                    base = (i * U + k) * _LANES
                    s16 = src_v[pl.ds(base, _LANES)]
                    d16 = dst_v[pl.ds(base, _LANES)]
                    for p in range(PPT):
                        idx_d.append(d16 + jnp.int32(p * NP))
                        gw.append(plsc.load_gather(u_v, [s16 + jnp.int32(p * NP)]))
                for j in range(U * PPT):
                    aw.append(plsc.load_gather(acc_v, [idx_d[j]]))
                mw = []
                for j in range(U * PPT):
                    mw.append(_maxw(gw[j], aw[j]))
                for j in range(U * PPT):
                    plsc.store_scatter(acc_v, [idx_d[j]], mw[j])
                bad = None
                for j in range(U * PPT):
                    rbw = plsc.load_gather(acc_v, [idx_d[j]])
                    c = rbw != mw[j]
                    bad = c if bad is None else (bad | c)

                def fix_cond(dirty):
                    return dirty

                def fix_body(_):
                    dirty = jnp.bool_(False)
                    for j in range(U * PPT):
                        rbw = plsc.load_gather(acc_v, [idx_d[j]])
                        w = _maxw(mw[j], rbw)
                        need = w != rbw
                        plsc.store_scatter(acc_v, [idx_d[j]], w, mask=need)
                        dirty = dirty | _anyv(need)
                    return dirty

                lax.while_loop(fix_cond, fix_body, _anyv(bad))
                return 0

            lax.fori_loop(0, CH // (U * _LANES), vec_body, 0)

        nchunks = ES // CH
        bufs = [(src_a, dst_a, sem_sa, sem_da), (src_b, dst_b, sem_sb, sem_db)]
        for bi, (sb, db, ss, sd) in enumerate(bufs):
            pltpu.async_copy(src_hbm.at[pl.ds(ebase + bi * CH, CH)], sb, ss)
            pltpu.async_copy(dst_hbm.at[pl.ds(ebase + bi * CH, CH)], db, sd)

        def outer_body(oi, _):
            for bi, (sb, db, ss, sd) in enumerate(bufs):
                ci = oi * 2 + bi
                pltpu.make_async_copy(
                    src_hbm.at[pl.ds(ebase + ci * CH, CH)], sb, ss
                ).wait()
                pltpu.make_async_copy(
                    dst_hbm.at[pl.ds(ebase + ci * CH, CH)], db, sd
                ).wait()
                process(sb, db)
                nci = lax.rem(ci + 2, nchunks)
                pltpu.async_copy(src_hbm.at[pl.ds(ebase + nci * CH, CH)], sb, ss)
                pltpu.async_copy(dst_hbm.at[pl.ds(ebase + nci * CH, CH)], db, sd)
            return 0

        lax.fori_loop(0, nchunks // 2, outer_body, 0)
        for bi, (sb, db, ss, sd) in enumerate(bufs):
            pltpu.make_async_copy(src_hbm.at[pl.ds(ebase + bi * CH, CH)], sb, ss).wait()
            pltpu.make_async_copy(dst_hbm.at[pl.ds(ebase + bi * CH, CH)], db, sd).wait()

        pltpu.sync_copy(acc_v, part_hbm.at[pl.ds(shard * (H * NP) + fbase, PPT * NP)])

    return agg


def _make_sc_merge(D, NP, NC, NS):
    H = D // 2
    NW = NC * NS
    PR = H // NW
    mesh = plsc.VectorSubcoreMesh(
        core_axis_name="c", subcore_axis_name="s", num_cores=NC, num_subcores=NS
    )

    @functools.partial(
        pl.kernel,
        out_type=jax.ShapeDtypeStruct((D * NP,), jnp.float32),
        mesh=mesh,
        compiler_params=pltpu.CompilerParams(needs_layout_passes=False),
        scratch_types=[
            pltpu.VMEM((PR * NP,), jnp.int32),
            pltpu.VMEM((PR * NP,), jnp.int32),
            pltpu.VMEM((2 * PR * NP,), jnp.float32),
        ],
    )
    def merge(part_hbm, vT_hbm, out_hbm, a0_v, a1_v, v_v):
        cid = lax.axis_index("c")
        sid = lax.axis_index("s")
        wid = sid * NC + cid
        pbase = wid * (PR * NP)
        pltpu.sync_copy(part_hbm.at[pl.ds(pbase, PR * NP)], a0_v)
        pltpu.sync_copy(part_hbm.at[pl.ds(H * NP + pbase, PR * NP)], a1_v)
        pltpu.sync_copy(vT_hbm.at[pl.ds(pbase, PR * NP)], v_v.at[pl.ds(0, PR * NP)])
        pltpu.sync_copy(
            vT_hbm.at[pl.ds(H * NP + pbase, PR * NP)],
            v_v.at[pl.ds(PR * NP, PR * NP)],
        )

        def body(i, _):
            sl = pl.ds(i * _LANES, _LANES)
            slh = pl.ds(PR * NP + i * _LANES, _LANES)
            w = _tf16(_maxw(a0_v[sl], a1_v[sl]))
            lo, hi = _unpk(w)
            v_v[sl] = lo - v_v[sl]
            v_v[slh] = hi - v_v[slh]
            return 0

        lax.fori_loop(0, PR * NP // _LANES, body, 0)
        pltpu.sync_copy(v_v.at[pl.ds(0, PR * NP)], out_hbm.at[pl.ds(pbase, PR * NP)])
        pltpu.sync_copy(
            v_v.at[pl.ds(PR * NP, PR * NP)],
            out_hbm.at[pl.ds(H * NP + pbase, PR * NP)],
        )

    return merge


def kernel(x, pos, edge_index, batch, W, b):
    N, D = x.shape
    E = edge_index.shape[1]
    NC, NS = 2, 16
    NW = NC * NS
    assert (D // 2) % NW == 0
    NP = -(-N // 256) * 256

    ES = E // NC
    CH = 0
    for cand in range(8192, 31, -32):
        if ES % cand == 0 and (ES // cand) % 2 == 0:
            CH = cand
            break
    assert CH > 0

    xp = jnp.pad(x, ((0, NP - N), (0, 0)))
    posT = jnp.pad(pos.T, ((0, 0), (0, NP - N)))
    Wx = W[:, :D]
    Wp = W[:, D:]
    b2 = b[:, None]

    uP, vT, p3T = _node_transform(xp, posT, Wx, Wp, b2, NP, D, 512)

    src = edge_index[0]
    dst = edge_index[1]
    agg = _make_sc_edge(D, NP, E, CH, NC, NS)
    part = agg(uP.reshape((D // 2) * NP), src, dst)
    merge = _make_sc_merge(D, NP, NC, NS)
    outF = merge(part, vT.reshape(D * NP))

    out = outF.reshape(D, NP)[:, :N].T
    pos3 = p3T[:, :N].T
    return (out, pos3, batch)

# --- scband reference (transcript-rebuilt; emitter-appended) ---
"""Pipeline reference for scband-point-conv-net-69458211111248 (READ-ONLY COPY).

The authoritative reference and input builder live on the scoring server;
editing this copy changes nothing except your own understanding.
"""

import jax, jax.numpy as jnp
import numpy as np

N, E, D = 10000, 320000, 128

def setup_inputs(seed: int = 0):
    key = jax.random.key(seed)
    ks = jax.random.split(key, 6)
    x = jax.random.normal(ks[0], (N, D), dtype=jnp.float32)
    pos = jax.random.normal(ks[1], (N, 2), dtype=jnp.float32)
    batch = jnp.zeros((N,), dtype=jnp.int32)
    edge_index = jax.random.randint(ks[2], (2, E), 0, N, dtype=jnp.int32)
    # learned params for net = Linear(D+3 -> D), consumed by PointConv message MLP
    W = jax.random.normal(ks[3], (D, D + 3), dtype=jnp.float32) * (1.0 / np.sqrt(D + 3))
    b = jnp.zeros((D,), dtype=jnp.float32)
    return {"x": x, "pos": pos, "edge_index": edge_index, "batch": batch, "W": W, "b": b}

def reference(x, pos, edge_index, batch, W, b):
    n = x.shape[0]
    # cylindrical -> cartesian positional transform from the module's forward
    pos_z = pos[:, 0].reshape(-1, 1)
    pos_x = jnp.cos(pos[:, 1]).reshape(-1, 1)
    pos_y = jnp.sin(pos[:, 1]).reshape(-1, 1)
    pos3 = jnp.concatenate([pos_x, pos_y, pos_z], axis=-1)
    # PyG PointConv with default add_self_loops=True
    loops = jnp.arange(n, dtype=edge_index.dtype)
    src = jnp.concatenate([edge_index[0], loops])
    dst = jnp.concatenate([edge_index[1], loops])
    # message: net(concat(x_j, pos_j - pos_i)) for edge j->i
    msg_in = jnp.concatenate([x[src], pos3[src] - pos3[dst]], axis=-1)
    msg = msg_in @ W.T + b
    # max aggregation over incoming edges per destination node
    out = jax.ops.segment_max(msg, dst, num_segments=n)
    return (out, pos3, batch)

if __name__ == "__main__":
    import jax
    _d = setup_inputs()
    print(jax.jit(kernel)(*tuple(_d.values())))

</pallas_src>

<mosaic_0001>
#map = affine_map<(d0, d1) -> (0)>
module attributes {stable_mosaic.version = 14 : i64} {
  func.func @merge(%arg0: i32, %arg1: i32, %arg2: memref<1310720xi32, #tpu.memory_space<hbm>>, %arg3: memref<1310720xf32, #tpu.memory_space<hbm>>, %arg4: memref<1310720xf32, #tpu.memory_space<hbm>>, %arg5: memref<20480xi32, #tpu.memory_space<vmem>>, %arg6: memref<20480xi32, #tpu.memory_space<vmem>>, %arg7: memref<40960xf32, #tpu.memory_space<vmem>>) attributes {dimension_semantics = [#tpu.dimension_semantics<core_parallel>, #tpu.dimension_semantics<subcore_parallel>], iteration_bounds = array<i64: 2, 16>, scalar_prefetch = 0 : i64, scratch_operands = 3 : i64, tpu.core_type = #tpu.core_type<sc_vector_subcore>, window_params = [{transform_indices = #map}, {transform_indices = #map}, {transform_indices = #map}]} {
    %mul3A = arith.constant 2 : i32
    %mul3A_0 = arith.muli %arg1, %mul3A : i32
    %add3A = arith.addi %mul3A_0, %arg0 : i32
    %mul3A_1 = arith.constant 20480 : i32
    %mul3A_2 = arith.muli %add3A, %mul3A_1 : i32
    "tpu.region"() ({
      %run_scoped3A = tpu.sem_alloc : memref<!tpu.dma_semaphore, #tpu.memory_space<semaphore_mem>>
      %dma_start3A = tpu.memref_slice %arg2[%mul3A_2] : memref<1310720xi32, #tpu.memory_space<hbm>> -> memref<20480xi32, #tpu.memory_space<hbm>>
      %dma_start3A_15 = tpu.memref_slice %arg2[%mul3A_2] : memref<1310720xi32, #tpu.memory_space<hbm>> -> memref<20480xi32, #tpu.memory_space<hbm>>
      tpu.enqueue_dma source(%dma_start3A_15 : memref<20480xi32, #tpu.memory_space<hbm>>) target(%arg5 : memref<20480xi32, #tpu.memory_space<vmem>>) target_semaphore(%run_scoped3A : memref<!tpu.dma_semaphore, #tpu.memory_space<semaphore_mem>>)
      %dma_wait3A = tpu.memref_slice %arg2[%mul3A_2] : memref<1310720xi32, #tpu.memory_space<hbm>> -> memref<20480xi32, #tpu.memory_space<hbm>>
      %dma_wait3A_16 = tpu.memref_slice %arg2[%mul3A_2] : memref<1310720xi32, #tpu.memory_space<hbm>> -> memref<20480xi32, #tpu.memory_space<hbm>>
      tpu.wait_dma2 semaphore(%run_scoped3A : memref<!tpu.dma_semaphore, #tpu.memory_space<semaphore_mem>>) src(%dma_wait3A_16 : memref<20480xi32, #tpu.memory_space<hbm>>) dst(%arg5 : memref<20480xi32, #tpu.memory_space<vmem>>)
      tpu.yield
    }) : () -> ()
    %add3A_3 = arith.constant 655360 : i32
    %add3A_4 = arith.addi %add3A_3, %mul3A_2 : i32
    "tpu.region"() ({
      %run_scoped3A = tpu.sem_alloc : memref<!tpu.dma_semaphore, #tpu.memory_space<semaphore_mem>>
      %dma_start3A = tpu.memref_slice %arg2[%add3A_4] : memref<1310720xi32, #tpu.memory_space<hbm>> -> memref<20480xi32, #tpu.memory_space<hbm>>
      %dma_start3A_15 = tpu.memref_slice %arg2[%add3A_4] : memref<1310720xi32, #tpu.memory_space<hbm>> -> memref<20480xi32, #tpu.memory_space<hbm>>
      tpu.enqueue_dma source(%dma_start3A_15 : memref<20480xi32, #tpu.memory_space<hbm>>) target(%arg6 : memref<20480xi32, #tpu.memory_space<vmem>>) target_semaphore(%run_scoped3A : memref<!tpu.dma_semaphore, #tpu.memory_space<semaphore_mem>>)
      %dma_wait3A = tpu.memref_slice %arg2[%add3A_4] : memref<1310720xi32, #tpu.memory_space<hbm>> -> memref<20480xi32, #tpu.memory_space<hbm>>
      %dma_wait3A_16 = tpu.memref_slice %arg2[%add3A_4] : memref<1310720xi32, #tpu.memory_space<hbm>> -> memref<20480xi32, #tpu.memory_space<hbm>>
      tpu.wait_dma2 semaphore(%run_scoped3A : memref<!tpu.dma_semaphore, #tpu.memory_space<semaphore_mem>>) src(%dma_wait3A_16 : memref<20480xi32, #tpu.memory_space<hbm>>) dst(%arg6 : memref<20480xi32, #tpu.memory_space<vmem>>)
      tpu.yield
    }) : () -> ()
    "tpu.region"() ({
      %run_scoped3A = tpu.sem_alloc : memref<!tpu.dma_semaphore, #tpu.memory_space<semaphore_mem>>
      %dma_start3A = arith.constant 0 : i32
      %dma_start3A_15 = tpu.memref_slice %arg7[%dma_start3A] : memref<40960xf32, #tpu.memory_space<vmem>> -> memref<20480xf32, #tpu.memory_space<vmem>>
      %dma_start3A_16 = tpu.memref_slice %arg3[%mul3A_2] : memref<1310720xf32, #tpu.memory_space<hbm>> -> memref<20480xf32, #tpu.memory_space<hbm>>
      %dma_start3A_17 = arith.constant 0 : i32
      %dma_start3A_18 = tpu.memref_slice %arg7[%dma_start3A_17] : memref<40960xf32, #tpu.memory_space<vmem>> -> memref<20480xf32, #tpu.memory_space<vmem>>
      %dma_start3A_19 = tpu.memref_slice %arg3[%mul3A_2] : memref<1310720xf32, #tpu.memory_space<hbm>> -> memref<20480xf32, #tpu.memory_space<hbm>>
      tpu.enqueue_dma source(%dma_start3A_19 : memref<20480xf32, #tpu.memory_space<hbm>>) target(%dma_start3A_18 : memref<20480xf32, #tpu.memory_space<vmem>>) target_semaphore(%run_scoped3A : memref<!tpu.dma_semaphore, #tpu.memory_space<semaphore_mem>>)
      %dma_wait3A = arith.constant 0 : i32
      %dma_wait3A_20 = tpu.memref_slice %arg7[%dma_wait3A] : memref<40960xf32, #tpu.memory_space<vmem>> -> memref<20480xf32, #tpu.memory_space<vmem>>
      %dma_wait3A_21 = tpu.memref_slice %arg3[%mul3A_2] : memref<1310720xf32, #tpu.memory_space<hbm>> -> memref<20480xf32, #tpu.memory_space<hbm>>
      %dma_wait3A_22 = arith.constant 0 : i32
      %dma_wait3A_23 = tpu.memref_slice %arg7[%dma_wait3A_22] : memref<40960xf32, #tpu.memory_space<vmem>> -> memref<20480xf32, #tpu.memory_space<vmem>>
      %dma_wait3A_24 = tpu.memref_slice %arg3[%mul3A_2] : memref<1310720xf32, #tpu.memory_space<hbm>> -> memref<20480xf32, #tpu.memory_space<hbm>>
      tpu.wait_dma2 semaphore(%run_scoped3A : memref<!tpu.dma_semaphore, #tpu.memory_space<semaphore_mem>>) src(%dma_wait3A_24 : memref<20480xf32, #tpu.memory_space<hbm>>) dst(%dma_wait3A_23 : memref<20480xf32, #tpu.memory_space<vmem>>)
      tpu.yield
    }) : () -> ()
    %add3A_5 = arith.constant 655360 : i32
    %add3A_6 = arith.addi %add3A_5, %mul3A_2 : i32
    "tpu.region"() ({
      %run_scoped3A = tpu.sem_alloc : memref<!tpu.dma_semaphore, #tpu.memory_space<semaphore_mem>>
      %dma_start3A = arith.constant 20480 : i32
      %dma_start3A_15 = tpu.memref_slice %arg7[%dma_start3A] : memref<40960xf32, #tpu.memory_space<vmem>> -> memref<20480xf32, #tpu.memory_space<vmem>>
      %dma_start3A_16 = tpu.memref_slice %arg3[%add3A_6] : memref<1310720xf32, #tpu.memory_space<hbm>> -> memref<20480xf32, #tpu.memory_space<hbm>>
      %dma_start3A_17 = arith.constant 20480 : i32
      %dma_start3A_18 = tpu.memref_slice %arg7[%dma_start3A_17] : memref<40960xf32, #tpu.memory_space<vmem>> -> memref<20480xf32, #tpu.memory_space<vmem>>
      %dma_start3A_19 = tpu.memref_slice %arg3[%add3A_6] : memref<1310720xf32, #tpu.memory_space<hbm>> -> memref<20480xf32, #tpu.memory_space<hbm>>
      tpu.enqueue_dma source(%dma_start3A_19 : memref<20480xf32, #tpu.memory_space<hbm>>) target(%dma_start3A_18 : memref<20480xf32, #tpu.memory_space<vmem>>) target_semaphore(%run_scoped3A : memref<!tpu.dma_semaphore, #tpu.memory_space<semaphore_mem>>)
      %dma_wait3A = arith.constant 20480 : i32
      %dma_wait3A_20 = tpu.memref_slice %arg7[%dma_wait3A] : memref<40960xf32, #tpu.memory_space<vmem>> -> memref<20480xf32, #tpu.memory_space<vmem>>
      %dma_wait3A_21 = tpu.memref_slice %arg3[%add3A_6] : memref<1310720xf32, #tpu.memory_space<hbm>> -> memref<20480xf32, #tpu.memory_space<hbm>>
      %dma_wait3A_22 = arith.constant 20480 : i32
      %dma_wait3A_23 = tpu.memref_slice %arg7[%dma_wait3A_22] : memref<40960xf32, #tpu.memory_space<vmem>> -> memref<20480xf32, #tpu.memory_space<vmem>>
      %dma_wait3A_24 = tpu.memref_slice %arg3[%add3A_6] : memref<1310720xf32, #tpu.memory_space<hbm>> -> memref<20480xf32, #tpu.memory_space<hbm>>
      tpu.wait_dma2 semaphore(%run_scoped3A : memref<!tpu.dma_semaphore, #tpu.memory_space<semaphore_mem>>) src(%dma_wait3A_24 : memref<20480xf32, #tpu.memory_space<hbm>>) dst(%dma_wait3A_23 : memref<20480xf32, #tpu.memory_space<vmem>>)
      tpu.yield
    }) : () -> ()
    %scan3A = arith.constant 0 : i32
    %scan3A_7 = arith.constant 0 : i32
    %scan3A_8 = arith.constant 1280 : i32
    %scan3A_9 = arith.addi %scan3A_7, %scan3A_8 : i32
    %scan3A_10 = arith.constant 1 : i32
    %scan3A_11 = scf.for %scan3A_15 = %scan3A_7 to %scan3A_9 step %scan3A_10 iter_args(%scan3A_16 = %scan3A) -> (i32)  : i32 {
      %mul3A_17 = arith.constant 16 : i32
      %mul3A_18 = arith.muli %scan3A_15, %mul3A_17 : i32
      %mul3A_19 = arith.constant 16 : i32
      %mul3A_20 = arith.muli %scan3A_15, %mul3A_19 : i32
      %add3A_21 = arith.constant 20480 : i32
      %add3A_22 = arith.addi %add3A_21, %mul3A_20 : i32
      %get3A = arith.index_cast %mul3A_18 : i32 to index
      %get3A_23 = tpu.vector_load %arg5[%get3A] {strides = array<i32>} : memref<20480xi32, #tpu.memory_space<vmem>>, vector<16xi32>,
      %get3A_24 = arith.index_cast %mul3A_18 : i32 to index
      %get3A_25 = tpu.vector_load %arg6[%get3A_24] {strides = array<i32>} : memref<20480xi32, #tpu.memory_space<vmem>>, vector<16xi32>,
      %bitcast3A = vector.bitcast %get3A_23 : vector<16xi32> to vector<32xi16>
      %bitcast3A_26 = vector.bitcast %get3A_25 : vector<16xi32> to vector<32xi16>
      %max3A = arith.maxsi %bitcast3A, %bitcast3A_26 : vector<32xi16>
      %bitcast3A_27 = vector.bitcast %max3A : vector<32xi16> to vector<16xi32>
      %bitcast3A_28 = vector.bitcast %bitcast3A_27 : vector<16xi32> to vector<32xi16>
      %lt3A = arith.constant 0 : i16
      %lt3A_29 = vector.broadcast %lt3A : i16 to vector<32xi16>
      %lt3A_30 = arith.cmpi slt, %bitcast3A_28, %lt3A_29 : vector<32xi16>
      %xor3A = arith.constant 32767 : i16
      %xor3A_31 = vector.broadcast %xor3A : i16 to vector<32xi16>
      %xor3A_32 = arith.xori %bitcast3A_28, %xor3A_31 : vector<32xi16>
      %select_n3A = arith.select %lt3A_30, %xor3A_32, %bitcast3A_28 : vector<32xi1>, vector<32xi16>
      %bitcast3A_33 = vector.bitcast %select_n3A : vector<32xi16> to vector<16xi32>
      %shift_left3A = arith.constant 16 : i32
      %shift_left3A_34 = vector.broadcast %shift_left3A : i32 to vector<16xi32>
      %shift_left3A_35 = arith.shli %bitcast3A_33, %shift_left3A_34 : vector<16xi32>
      %bitcast3A_36 = vector.bitcast %shift_left3A_35 : vector<16xi32> to vector<16xf32>
      %and3A = arith.constant -65536 : i32
      %and3A_37 = vector.broadcast %and3A : i32 to vector<16xi32>
      %and3A_38 = arith.andi %bitcast3A_33, %and3A_37 : vector<16xi32>
      %bitcast3A_39 = vector.bitcast %and3A_38 : vector<16xi32> to vector<16xf32>
      %get3A_40 = arith.index_cast %mul3A_18 : i32 to index
      %get3A_41 = tpu.vector_load %arg7[%get3A_40] {strides = array<i32>} : memref<40960xf32, #tpu.memory_space<vmem>>, vector<16xf32>,
      %sub3A = arith.subf %bitcast3A_36, %get3A_41 : vector<16xf32>
      %swap3A = arith.index_cast %mul3A_18 : i32 to index
      %swap3A_42 = tpu.vector_load %arg7[%swap3A] {strides = array<i32>} : memref<40960xf32, #tpu.memory_space<vmem>>, vector<16xf32>,
      tpu.vector_store %arg7[%swap3A], %sub3A {strides = array<i32>} : memref<40960xf32, #tpu.memory_space<vmem>>, vector<16xf32>,
      %get3A_43 = arith.index_cast %add3A_22 : i32 to index
      %get3A_44 = tpu.vector_load %arg7[%get3A_43] {strides = array<i32>} : memref<40960xf32, #tpu.memory_space<vmem>>, vector<16xf32>,
      %sub3A_45 = arith.subf %bitcast3A_39, %get3A_44 : vector<16xf32>
      %swap3A_46 = arith.index_cast %add3A_22 : i32 to index
      %swap3A_47 = tpu.vector_load %arg7[%swap3A_46] {strides = array<i32>} : memref<40960xf32, #tpu.memory_space<vmem>>, vector<16xf32>,
      tpu.vector_store %arg7[%swap3A_46], %sub3A_45 {strides = array<i32>} : memref<40960xf32, #tpu.memory_space<vmem>>, vector<16xf32>,
      %scan3A_48 = arith.constant 0 : i32
      scf.yield %scan3A_48 : i32
    }
    %scan3A_12 = arith.constant 1280 : i32
    "tpu.region"() ({
      %run_scoped3A = tpu.sem_alloc : memref<!tpu.dma_semaphore, #tpu.memory_space<semaphore_mem>>
      %dma_start3A = arith.constant 0 : i32
      %dma_start3A_15 = tpu.memref_slice %arg7[%dma_start3A] : memref<40960xf32, #tpu.memory_space<vmem>> -> memref<20480xf32, #tpu.memory_space<vmem>>
      %dma_start3A_16 = tpu.memref_slice %arg4[%mul3A_2] : memref<1310720xf32, #tpu.memory_space<hbm>> -> memref<20480xf32, #tpu.memory_space<hbm>>
      %dma_start3A_17 = tpu.memref_slice %arg4[%mul3A_2] : memref<1310720xf32, #tpu.memory_space<hbm>> -> memref<20480xf32, #tpu.memory_space<hbm>>
      %dma_start3A_18 = arith.constant 0 : i32
      %dma_start3A_19 = tpu.memref_slice %arg7[%dma_start3A_18] : memref<40960xf32, #tpu.memory_space<vmem>> -> memref<20480xf32, #tpu.memory_space<vmem>>
      tpu.enqueue_dma source(%dma_start3A_19 : memref<20480xf32, #tpu.memory_space<vmem>>) target(%dma_start3A_17 : memref<20480xf32, #tpu.memory_space<hbm>>) target_semaphore(%run_scoped3A : memref<!tpu.dma_semaphore, #tpu.memory_space<semaphore_mem>>)
      %dma_wait3A = arith.constant 0 : i32
      %dma_wait3A_20 = tpu.memref_slice %arg7[%dma_wait3A] : memref<40960xf32, #tpu.memory_space<vmem>> -> memref<20480xf32, #tpu.memory_space<vmem>>
      %dma_wait3A_21 = tpu.memref_slice %arg4[%mul3A_2] : memref<1310720xf32, #tpu.memory_space<hbm>> -> memref<20480xf32, #tpu.memory_space<hbm>>
      %dma_wait3A_22 = tpu.memref_slice %arg4[%mul3A_2] : memref<1310720xf32, #tpu.memory_space<hbm>> -> memref<20480xf32, #tpu.memory_space<hbm>>
      %dma_wait3A_23 = arith.constant 0 : i32
      %dma_wait3A_24 = tpu.memref_slice %arg7[%dma_wait3A_23] : memref<40960xf32, #tpu.memory_space<vmem>> -> memref<20480xf32, #tpu.memory_space<vmem>>
      tpu.wait_dma2 semaphore(%run_scoped3A : memref<!tpu.dma_semaphore, #tpu.memory_space<semaphore_mem>>) src(%dma_wait3A_24 : memref<20480xf32, #tpu.memory_space<vmem>>) dst(%dma_wait3A_22 : memref<20480xf32, #tpu.memory_space<hbm>>)
      tpu.yield
    }) : () -> ()
    %add3A_13 = arith.constant 655360 : i32
    %add3A_14 = arith.addi %add3A_13, %mul3A_2 : i32
    "tpu.region"() ({
      %run_scoped3A = tpu.sem_alloc : memref<!tpu.dma_semaphore, #tpu.memory_space<semaphore_mem>>
      %dma_start3A = arith.constant 20480 : i32
      %dma_start3A_15 = tpu.memref_slice %arg7[%dma_start3A] : memref<40960xf32, #tpu.memory_space<vmem>> -> memref<20480xf32, #tpu.memory_space<vmem>>
      %dma_start3A_16 = tpu.memref_slice %arg4[%add3A_14] : memref<1310720xf32, #tpu.memory_space<hbm>> -> memref<20480xf32, #tpu.memory_space<hbm>>
      %dma_start3A_17 = tpu.memref_slice %arg4[%add3A_14] : memref<1310720xf32, #tpu.memory_space<hbm>> -> memref<20480xf32, #tpu.memory_space<hbm>>
      %dma_start3A_18 = arith.constant 20480 : i32
      %dma_start3A_19 = tpu.memref_slice %arg7[%dma_start3A_18] : memref<40960xf32, #tpu.memory_space<vmem>> -> memref<20480xf32, #tpu.memory_space<vmem>>
      tpu.enqueue_dma source(%dma_start3A_19 : memref<20480xf32, #tpu.memory_space<vmem>>) target(%dma_start3A_17 : memref<20480xf32, #tpu.memory_space<hbm>>) target_semaphore(%run_scoped3A : memref<!tpu.dma_semaphore, #tpu.memory_space<semaphore_mem>>)
      %dma_wait3A = arith.constant 20480 : i32
      %dma_wait3A_20 = tpu.memref_slice %arg7[%dma_wait3A] : memref<40960xf32, #tpu.memory_space<vmem>> -> memref<20480xf32, #tpu.memory_space<vmem>>
      %dma_wait3A_21 = tpu.memref_slice %arg4[%add3A_14] : memref<1310720xf32, #tpu.memory_space<hbm>> -> memref<20480xf32, #tpu.memory_space<hbm>>
      %dma_wait3A_22 = tpu.memref_slice %arg4[%add3A_14] : memref<1310720xf32, #tpu.memory_space<hbm>> -> memref<20480xf32, #tpu.memory_space<hbm>>
      %dma_wait3A_23 = arith.constant 20480 : i32
      %dma_wait3A_24 = tpu.memref_slice %arg7[%dma_wait3A_23] : memref<40960xf32, #tpu.memory_space<vmem>> -> memref<20480xf32, #tpu.memory_space<vmem>>
      tpu.wait_dma2 semaphore(%run_scoped3A : memref<!tpu.dma_semaphore, #tpu.memory_space<semaphore_mem>>) src(%dma_wait3A_24 : memref<20480xf32, #tpu.memory_space<vmem>>) dst(%dma_wait3A_22 : memref<20480xf32, #tpu.memory_space<hbm>>)
      tpu.yield
    }) : () -> ()
    return
  }
}

#map = affine_map<(d0, d1) -> (0)>
module attributes {stable_mosaic.version = 14 : i64} {
  func.func @agg(%arg0: i32, %arg1: i32, %arg2: memref<655360xi32, #tpu.memory_space<hbm>>, %arg3: memref<320000xi32, #tpu.memory_space<hbm>>, %arg4: memref<320000xi32, #tpu.memory_space<hbm>>, %arg5: memref<1310720xi32, #tpu.memory_space<hbm>>, %arg6: memref<40960xi32, #tpu.memory_space<vmem>>, %arg7: memref<40960xi32, #tpu.memory_space<vmem>>, %arg8: memref<8000xi32, #tpu.memory_space<vmem>>, %arg9: memref<8000xi32, #tpu.memory_space<vmem>>, %arg10: memref<8000xi32, #tpu.memory_space<vmem>>, %arg11: memref<8000xi32, #tpu.memory_space<vmem>>, %arg12: memref<!tpu.dma_semaphore, #tpu.memory_space<semaphore_mem>>, %arg13: memref<!tpu.dma_semaphore, #tpu.memory_space<semaphore_mem>>, %arg14: memref<!tpu.dma_semaphore, #tpu.memory_space<semaphore_mem>>, %arg15: memref<!tpu.dma_semaphore, #tpu.memory_space<semaphore_mem>>) attributes {dimension_semantics = [#tpu.dimension_semantics<core_parallel>, #tpu.dimension_semantics<subcore_parallel>], iteration_bounds = array<i64: 2, 16>, scalar_prefetch = 0 : i64, scratch_operands = 10 : i64, tpu.core_type = #tpu.core_type<sc_vector_subcore>, window_params = [{transform_indices = #map}, {transform_indices = #map}, {transform_indices = #map}, {transform_indices = #map}]} {
    %mul3A = arith.constant 40960 : i32
    %mul3A_0 = arith.muli %arg1, %mul3A : i32
    "tpu.region"() ({
      %run_scoped3A = tpu.sem_alloc : memref<!tpu.dma_semaphore, #tpu.memory_space<semaphore_mem>>
      %dma_start3A_48 = tpu.memref_slice %arg2[%mul3A_0] : memref<655360xi32, #tpu.memory_space<hbm>> -> memref<40960xi32, #tpu.memory_space<hbm>>
      %dma_start3A_49 = tpu.memref_slice %arg2[%mul3A_0] : memref<655360xi32, #tpu.memory_space<hbm>> -> memref<40960xi32, #tpu.memory_space<hbm>>
      tpu.enqueue_dma source(%dma_start3A_49 : memref<40960xi32, #tpu.memory_space<hbm>>) target(%arg6 : memref<40960xi32, #tpu.memory_space<vmem>>) target_semaphore(%run_scoped3A : memref<!tpu.dma_semaphore, #tpu.memory_space<semaphore_mem>>)
      %dma_wait3A_50 = tpu.memref_slice %arg2[%mul3A_0] : memref<655360xi32, #tpu.memory_space<hbm>> -> memref<40960xi32, #tpu.memory_space<hbm>>
      %dma_wait3A_51 = tpu.memref_slice %arg2[%mul3A_0] : memref<655360xi32, #tpu.memory_space<hbm>> -> memref<40960xi32, #tpu.memory_space<hbm>>
      tpu.wait_dma2 semaphore(%run_scoped3A : memref<!tpu.dma_semaphore, #tpu.memory_space<semaphore_mem>>) src(%dma_wait3A_51 : memref<40960xi32, #tpu.memory_space<hbm>>) dst(%arg6 : memref<40960xi32, #tpu.memory_space<vmem>>)
      tpu.yield
    }) : () -> ()
    %scan3A = arith.constant 0 : i32
    %scan3A_1 = arith.constant 0 : i32
    %scan3A_2 = arith.constant 2560 : i32
    %scan3A_3 = arith.addi %scan3A_1, %scan3A_2 : i32
    %scan3A_4 = arith.constant 1 : i32
    %scan3A_5 = scf.for %scan3A_48 = %scan3A_1 to %scan3A_3 step %scan3A_4 iter_args(%scan3A_49 = %scan3A) -> (i32)  : i32 {
      %mul3A_50 = arith.constant 16 : i32
      %mul3A_51 = arith.muli %scan3A_48, %mul3A_50 : i32
      %get3A = arith.index_cast %mul3A_51 : i32 to index
      %get3A_52 = tpu.vector_load %arg6[%get3A] {strides = array<i32>} : memref<40960xi32, #tpu.memory_space<vmem>>, vector<16xi32>,
      %bitcast3A = vector.bitcast %get3A_52 : vector<16xi32> to vector<32xi16>
      %lt3A = arith.constant 0 : i16
      %lt3A_53 = vector.broadcast %lt3A : i16 to vector<32xi16>
      %lt3A_54 = arith.cmpi slt, %bitcast3A, %lt3A_53 : vector<32xi16>
      %xor3A = arith.constant 32767 : i16
      %xor3A_55 = vector.broadcast %xor3A : i16 to vector<32xi16>
      %xor3A_56 = arith.xori %bitcast3A, %xor3A_55 : vector<32xi16>
      %select_n3A = arith.select %lt3A_54, %xor3A_56, %bitcast3A : vector<32xi1>, vector<32xi16>
      %bitcast3A_57 = vector.bitcast %select_n3A : vector<32xi16> to vector<16xi32>
      %swap3A = arith.index_cast %mul3A_51 : i32 to index
      %swap3A_58 = tpu.vector_load %arg6[%swap3A] {strides = array<i32>} : memref<40960xi32, #tpu.memory_space<vmem>>, vector<16xi32>,
      tpu.vector_store %arg6[%swap3A], %bitcast3A_57 {strides = array<i32>} : memref<40960xi32, #tpu.memory_space<vmem>>, vector<16xi32>,
      %swap3A_59 = arith.index_cast %mul3A_51 : i32 to index
      %swap3A_60 = tpu.vector_load %arg7[%swap3A_59] {strides = array<i32>} : memref<40960xi32, #tpu.memory_space<vmem>>, vector<16xi32>,
      tpu.vector_store %arg7[%swap3A_59], %bitcast3A_57 {strides = array<i32>} : memref<40960xi32, #tpu.memory_space<vmem>>, vector<16xi32>,
      %scan3A_61 = arith.constant 0 : i32
      scf.yield %scan3A_61 : i32
    }
    %scan3A_6 = arith.constant 2560 : i32
    %mul3A_7 = arith.constant 160000 : i32
    %mul3A_8 = arith.muli %arg0, %mul3A_7 : i32
    %add3A = arith.constant 0 : i32
    %add3A_9 = arith.addi %mul3A_8, %add3A : i32
    %dma_start3A = tpu.memref_slice %arg3[%add3A_9] : memref<320000xi32, #tpu.memory_space<hbm>> -> memref<8000xi32, #tpu.memory_space<hbm>>
    %dma_start3A_10 = tpu.memref_slice %arg3[%add3A_9] : memref<320000xi32, #tpu.memory_space<hbm>> -> memref<8000xi32, #tpu.memory_space<hbm>>
    tpu.enqueue_dma source(%dma_start3A_10 : memref<8000xi32, #tpu.memory_space<hbm>>) target(%arg8 : memref<8000xi32, #tpu.memory_space<vmem>>) target_semaphore(%arg12 : memref<!tpu.dma_semaphore, #tpu.memory_space<semaphore_mem>>)
    %add3A_11 = arith.constant 0 : i32
    %add3A_12 = arith.addi %mul3A_8, %add3A_11 : i32
    %dma_start3A_13 = tpu.memref_slice %arg4[%add3A_12] : memref<320000xi32, #tpu.memory_space<hbm>> -> memref<8000xi32, #tpu.memory_space<hbm>>
    %dma_start3A_14 = tpu.memref_slice %arg4[%add3A_12] : memref<320000xi32, #tpu.memory_space<hbm>> -> memref<8000xi32, #tpu.memory_space<hbm>>
    tpu.enqueue_dma source(%dma_start3A_14 : memref<8000xi32, #tpu.memory_space<hbm>>) target(%arg10 : memref<8000xi32, #tpu.memory_space<vmem>>) target_semaphore(%arg14 : memref<!tpu.dma_semaphore, #tpu.memory_space<semaphore_mem>>)
    %add3A_15 = arith.constant 8000 : i32
    %add3A_16 = arith.addi %mul3A_8, %add3A_15 : i32
    %dma_start3A_17 = tpu.memref_slice %arg3[%add3A_16] : memref<320000xi32, #tpu.memory_space<hbm>> -> memref<8000xi32, #tpu.memory_space<hbm>>
    %dma_start3A_18 = tpu.memref_slice %arg3[%add3A_16] : memref<320000xi32, #tpu.memory_space<hbm>> -> memref<8000xi32, #tpu.memory_space<hbm>>
    tpu.enqueue_dma source(%dma_start3A_18 : memref<8000xi32, #tpu.memory_space<hbm>>) target(%arg9 : memref<8000xi32, #tpu.memory_space<vmem>>) target_semaphore(%arg13 : memref<!tpu.dma_semaphore, #tpu.memory_space<semaphore_mem>>)
    %add3A_19 = arith.constant 8000 : i32
    %add3A_20 = arith.addi %mul3A_8, %add3A_19 : i32
    %dma_start3A_21 = tpu.memref_slice %arg4[%add3A_20] : memref<320000xi32, #tpu.memory_space<hbm>> -> memref<8000xi32, #tpu.memory_space<hbm>>
    %dma_start3A_22 = tpu.memref_slice %arg4[%add3A_20] : memref<320000xi32, #tpu.memory_space<hbm>> -> memref<8000xi32, #tpu.memory_space<hbm>>
    tpu.enqueue_dma source(%dma_start3A_22 : memref<8000xi32, #tpu.memory_space<hbm>>) target(%arg11 : memref<8000xi32, #tpu.memory_space<vmem>>) target_semaphore(%arg15 : memref<!tpu.dma_semaphore, #tpu.memory_space<semaphore_mem>>)
    %scan3A_23 = arith.constant 0 : i32
    %scan3A_24 = arith.constant 0 : i32
    %scan3A_25 = arith.constant 10 : i32
    %scan3A_26 = arith.addi %scan3A_24, %scan3A_25 : i32
    %scan3A_27 = arith.constant 1 : i32
    %scan3A_28 = scf.for %scan3A_48 = %scan3A_24 to %scan3A_26 step %scan3A_27 iter_args(%scan3A_49 = %scan3A_23) -> (i32)  : i32 {
      %mul3A_50 = arith.constant 2 : i32
      %mul3A_51 = arith.muli %scan3A_48, %mul3A_50 : i32
      %add3A_52 = arith.constant 0 : i32
      %add3A_53 = arith.addi %mul3A_51, %add3A_52 : i32
      %mul3A_54 = arith.constant 8000 : i32
      %mul3A_55 = arith.muli %add3A_53, %mul3A_54 : i32
      %add3A_56 = arith.addi %mul3A_8, %mul3A_55 : i32
      %dma_wait3A_57 = tpu.memref_slice %arg3[%add3A_56] : memref<320000xi32, #tpu.memory_space<hbm>> -> memref<8000xi32, #tpu.memory_space<hbm>>
      %dma_wait3A_58 = tpu.memref_slice %arg3[%add3A_56] : memref<320000xi32, #tpu.memory_space<hbm>> -> memref<8000xi32, #tpu.memory_space<hbm>>
      tpu.wait_dma2 semaphore(%arg12 : memref<!tpu.dma_semaphore, #tpu.memory_space<semaphore_mem>>) src(%dma_wait3A_58 : memref<8000xi32, #tpu.memory_space<hbm>>) dst(%arg8 : memref<8000xi32, #tpu.memory_space<vmem>>)
      %mul3A_59 = arith.constant 8000 : i32
      %mul3A_60 = arith.muli %add3A_53, %mul3A_59 : i32
      %add3A_61 = arith.addi %mul3A_8, %mul3A_60 : i32
      %dma_wait3A_62 = tpu.memref_slice %arg4[%add3A_61] : memref<320000xi32, #tpu.memory_space<hbm>> -> memref<8000xi32, #tpu.memory_space<hbm>>
      %dma_wait3A_63 = tpu.memref_slice %arg4[%add3A_61] : memref<320000xi32, #tpu.memory_space<hbm>> -> memref<8000xi32, #tpu.memory_space<hbm>>
      tpu.wait_dma2 semaphore(%arg14 : memref<!tpu.dma_semaphore, #tpu.memory_space<semaphore_mem>>) src(%dma_wait3A_63 : memref<8000xi32, #tpu.memory_space<hbm>>) dst(%arg10 : memref<8000xi32, #tpu.memory_space<vmem>>)
      %scan3A_64 = arith.constant 0 : i32
      %scan3A_65 = arith.constant 0 : i32
      %scan3A_66 = arith.constant 250 : i32
      %scan3A_67 = arith.addi %scan3A_65, %scan3A_66 : i32
      %scan3A_68 = arith.constant 1 : i32
      %scan3A_69 = scf.for %scan3A_120 = %scan3A_65 to %scan3A_67 step %scan3A_68 iter_args(%scan3A_121 = %scan3A_64) -> (i32)  : i32 {
        %mul3A_122 = arith.constant 2 : i32
        %mul3A_123 = arith.muli %scan3A_120, %mul3A_122 : i32
        %add3A_124 = arith.constant 0 : i32
        %add3A_125 = arith.addi %mul3A_123, %add3A_124 : i32
        %mul3A_126 = arith.constant 16 : i32
        %mul3A_127 = arith.muli %add3A_125, %mul3A_126 : i32
        %get3A = arith.index_cast %mul3A_127 : i32 to index
        %get3A_128 = tpu.vector_load %arg8[%get3A] {strides = array<i32>} : memref<8000xi32, #tpu.memory_space<vmem>>, vector<16xi32>,
        %get3A_129 = arith.index_cast %mul3A_127 : i32 to index
        %get3A_130 = tpu.vector_load %arg10[%get3A_129] {strides = array<i32>} : memref<8000xi32, #tpu.memory_space<vmem>>, vector<16xi32>,
        %add3A_131 = arith.constant 0 : i32
        %add3A_132 = vector.broadcast %add3A_131 : i32 to vector<16xi32>
        %add3A_133 = arith.addi %get3A_130, %add3A_132 : vector<16xi32>
        %add3A_134 = arith.constant 0 : i32
        %add3A_135 = vector.broadcast %add3A_134 : i32 to vector<16xi32>
        %add3A_136 = arith.addi %get3A_128, %add3A_135 : vector<16xi32>
        %gather3A = tpu.vector_load_idx %arg6[%add3A_136] : memref<40960xi32, #tpu.memory_space<vmem>>[vector<16xi32>], vector<16xi32>,
        %add3A_137 = arith.constant 10240 : i32
        %add3A_138 = vector.broadcast %add3A_137 : i32 to vector<16xi32>
        %add3A_139 = arith.addi %get3A_130, %add3A_138 : vector<16xi32>
        %add3A_140 = arith.constant 10240 : i32
        %add3A_141 = vector.broadcast %add3A_140 : i32 to vector<16xi32>
        %add3A_142 = arith.addi %get3A_128, %add3A_141 : vector<16xi32>
        %gather3A_143 = tpu.vector_load_idx %arg6[%add3A_142] : memref<40960xi32, #tpu.memory_space<vmem>>[vector<16xi32>], vector<16xi32>,
        %add3A_144 = arith.constant 20480 : i32
        %add3A_145 = vector.broadcast %add3A_144 : i32 to vector<16xi32>
        %add3A_146 = arith.addi %get3A_130, %add3A_145 : vector<16xi32>
        %add3A_147 = arith.constant 20480 : i32
        %add3A_148 = vector.broadcast %add3A_147 : i32 to vector<16xi32>
        %add3A_149 = arith.addi %get3A_128, %add3A_148 : vector<16xi32>
        %gather3A_150 = tpu.vector_load_idx %arg6[%add3A_149] : memref<40960xi32, #tpu.memory_space<vmem>>[vector<16xi32>], vector<16xi32>,
        %add3A_151 = arith.constant 30720 : i32
        %add3A_152 = vector.broadcast %add3A_151 : i32 to vector<16xi32>
        %add3A_153 = arith.addi %get3A_130, %add3A_152 : vector<16xi32>
        %add3A_154 = arith.constant 30720 : i32
        %add3A_155 = vector.broadcast %add3A_154 : i32 to vector<16xi32>
        %add3A_156 = arith.addi %get3A_128, %add3A_155 : vector<16xi32>
        %gather3A_157 = tpu.vector_load_idx %arg6[%add3A_156] : memref<40960xi32, #tpu.memory_space<vmem>>[vector<16xi32>], vector<16xi32>,
        %mul3A_158 = arith.constant 2 : i32
        %mul3A_159 = arith.muli %scan3A_120, %mul3A_158 : i32
        %add3A_160 = arith.constant 1 : i32
        %add3A_161 = arith.addi %mul3A_159, %add3A_160 : i32
        %mul3A_162 = arith.constant 16 : i32
        %mul3A_163 = arith.muli %add3A_161, %mul3A_162 : i32
        %get3A_164 = arith.index_cast %mul3A_163 : i32 to index
        %get3A_165 = tpu.vector_load %arg8[%get3A_164] {strides = array<i32>} : memref<8000xi32, #tpu.memory_space<vmem>>, vector<16xi32>,
        %get3A_166 = arith.index_cast %mul3A_163 : i32 to index
        %get3A_167 = tpu.vector_load %arg10[%get3A_166] {strides = array<i32>} : memref<8000xi32, #tpu.memory_space<vmem>>, vector<16xi32>,
        %add3A_168 = arith.constant 0 : i32
        %add3A_169 = vector.broadcast %add3A_168 : i32 to vector<16xi32>
        %add3A_170 = arith.addi %get3A_167, %add3A_169 : vector<16xi32>
        %add3A_171 = arith.constant 0 : i32
        %add3A_172 = vector.broadcast %add3A_171 : i32 to vector<16xi32>
        %add3A_173 = arith.addi %get3A_165, %add3A_172 : vector<16xi32>
        %gather3A_174 = tpu.vector_load_idx %arg6[%add3A_173] : memref<40960xi32, #tpu.memory_space<vmem>>[vector<16xi32>], vector<16xi32>,
        %add3A_175 = arith.constant 10240 : i32
        %add3A_176 = vector.broadcast %add3A_175 : i32 to vector<16xi32>
        %add3A_177 = arith.addi %get3A_167, %add3A_176 : vector<16xi32>
        %add3A_178 = arith.constant 10240 : i32
        %add3A_179 = vector.broadcast %add3A_178 : i32 to vector<16xi32>
        %add3A_180 = arith.addi %get3A_165, %add3A_179 : vector<16xi32>
        %gather3A_181 = tpu.vector_load_idx %arg6[%add3A_180] : memref<40960xi32, #tpu.memory_space<vmem>>[vector<16xi32>], vector<16xi32>,
        %add3A_182 = arith.constant 20480 : i32
        %add3A_183 = vector.broadcast %add3A_182 : i32 to vector<16xi32>
        %add3A_184 = arith.addi %get3A_167, %add3A_183 : vector<16xi32>
        %add3A_185 = arith.constant 20480 : i32
        %add3A_186 = vector.broadcast %add3A_185 : i32 to vector<16xi32>
        %add3A_187 = arith.addi %get3A_165, %add3A_186 : vector<16xi32>
        %gather3A_188 = tpu.vector_load_idx %arg6[%add3A_187] : memref<40960xi32, #tpu.memory_space<vmem>>[vector<16xi32>], vector<16xi32>,
        %add3A_189 = arith.constant 30720 : i32
        %add3A_190 = vector.broadcast %add3A_189 : i32 to vector<16xi32>
        %add3A_191 = arith.addi %get3A_167, %add3A_190 : vector<16xi32>
        %add3A_192 = arith.constant 30720 : i32
        %add3A_193 = vector.broadcast %add3A_192 : i32 to vector<16xi32>
        %add3A_194 = arith.addi %get3A_165, %add3A_193 : vector<16xi32>
        %gather3A_195 = tpu.vector_load_idx %arg6[%add3A_194] : memref<40960xi32, #tpu.memory_space<vmem>>[vector<16xi32>], vector<16xi32>,
        %gather3A_196 = tpu.vector_load_idx %arg7[%add3A_133] : memref<40960xi32, #tpu.memory_space<vmem>>[vector<16xi32>], vector<16xi32>,
        %gather3A_197 = tpu.vector_load_idx %arg7[%add3A_139] : memref<40960xi32, #tpu.memory_space<vmem>>[vector<16xi32>], vector<16xi32>,
        %gather3A_198 = tpu.vector_load_idx %arg7[%add3A_146] : memref<40960xi32, #tpu.memory_space<vmem>>[vector<16xi32>], vector<16xi32>,
        %gather3A_199 = tpu.vector_load_idx %arg7[%add3A_153] : memref<40960xi32, #tpu.memory_space<vmem>>[vector<16xi32>], vector<16xi32>,
        %gather3A_200 = tpu.vector_load_idx %arg7[%add3A_170] : memref<40960xi32, #tpu.memory_space<vmem>>[vector<16xi32>], vector<16xi32>,
        %gather3A_201 = tpu.vector_load_idx %arg7[%add3A_177] : memref<40960xi32, #tpu.memory_space<vmem>>[vector<16xi32>], vector<16xi32>,
        %gather3A_202 = tpu.vector_load_idx %arg7[%add3A_184] : memref<40960xi32, #tpu.memory_space<vmem>>[vector<16xi32>], vector<16xi32>,
        %gather3A_203 = tpu.vector_load_idx %arg7[%add3A_191] : memref<40960xi32, #tpu.memory_space<vmem>>[vector<16xi32>], vector<16xi32>,
        %bitcast3A = vector.bitcast %gather3A : vector<16xi32> to vector<32xi16>
        %bitcast3A_204 = vector.bitcast %gather3A_196 : vector<16xi32> to vector<32xi16>
        %max3A = arith.maxsi %bitcast3A, %bitcast3A_204 : vector<32xi16>
        %bitcast3A_205 = vector.bitcast %max3A : vector<32xi16> to vector<16xi32>
        %bitcast3A_206 = vector.bitcast %gather3A_143 : vector<16xi32> to vector<32xi16>
        %bitcast3A_207 = vector.bitcast %gather3A_197 : vector<16xi32> to vector<32xi16>
        %max3A_208 = arith.maxsi %bitcast3A_206, %bitcast3A_207 : vector<32xi16>
        %bitcast3A_209 = vector.bitcast %max3A_208 : vector<32xi16> to vector<16xi32>
        %bitcast3A_210 = vector.bitcast %gather3A_150 : vector<16xi32> to vector<32xi16>
        %bitcast3A_211 = vector.bitcast %gather3A_198 : vector<16xi32> to vector<32xi16>
        %max3A_212 = arith.maxsi %bitcast3A_210, %bitcast3A_211 : vector<32xi16>
        %bitcast3A_213 = vector.bitcast %max3A_212 : vector<32xi16> to vector<16xi32>
        %bitcast3A_214 = vector.bitcast %gather3A_157 : vector<16xi32> to vector<32xi16>
        %bitcast3A_215 = vector.bitcast %gather3A_199 : vector<16xi32> to vector<32xi16>
        %max3A_216 = arith.maxsi %bitcast3A_214, %bitcast3A_215 : vector<32xi16>
        %bitcast3A_217 = vector.bitcast %max3A_216 : vector<32xi16> to vector<16xi32>
        %bitcast3A_218 = vector.bitcast %gather3A_174 : vector<16xi32> to vector<32xi16>
        %bitcast3A_219 = vector.bitcast %gather3A_200 : vector<16xi32> to vector<32xi16>
        %max3A_220 = arith.maxsi %bitcast3A_218, %bitcast3A_219 : vector<32xi16>
        %bitcast3A_221 = vector.bitcast %max3A_220 : vector<32xi16> to vector<16xi32>
        %bitcast3A_222 = vector.bitcast %gather3A_181 : vector<16xi32> to vector<32xi16>
        %bitcast3A_223 = vector.bitcast %gather3A_201 : vector<16xi32> to vector<32xi16>
        %max3A_224 = arith.maxsi %bitcast3A_222, %bitcast3A_223 : vector<32xi16>
        %bitcast3A_225 = vector.bitcast %max3A_224 : vector<32xi16> to vector<16xi32>
        %bitcast3A_226 = vector.bitcast %gather3A_188 : vector<16xi32> to vector<32xi16>
        %bitcast3A_227 = vector.bitcast %gather3A_202 : vector<16xi32> to vector<32xi16>
        %max3A_228 = arith.maxsi %bitcast3A_226, %bitcast3A_227 : vector<32xi16>
        %bitcast3A_229 = vector.bitcast %max3A_228 : vector<32xi16> to vector<16xi32>
        %bitcast3A_230 = vector.bitcast %gather3A_195 : vector<16xi32> to vector<32xi16>
        %bitcast3A_231 = vector.bitcast %gather3A_203 : vector<16xi32> to vector<32xi16>
        %max3A_232 = arith.maxsi %bitcast3A_230, %bitcast3A_231 : vector<32xi16>
        %bitcast3A_233 = vector.bitcast %max3A_232 : vector<32xi16> to vector<16xi32>
        tpu.vector_store_idx %arg7[%add3A_133], %bitcast3A_205 : memref<40960xi32, #tpu.memory_space<vmem>>[vector<16xi32>], vector<16xi32>,
        tpu.vector_store_idx %arg7[%add3A_139], %bitcast3A_209 : memref<40960xi32, #tpu.memory_space<vmem>>[vector<16xi32>], vector<16xi32>,
        tpu.vector_store_idx %arg7[%add3A_146], %bitcast3A_213 : memref<40960xi32, #tpu.memory_space<vmem>>[vector<16xi32>], vector<16xi32>,
        tpu.vector_store_idx %arg7[%add3A_153], %bitcast3A_217 : memref<40960xi32, #tpu.memory_space<vmem>>[vector<16xi32>], vector<16xi32>,
        tpu.vector_store_idx %arg7[%add3A_170], %bitcast3A_221 : memref<40960xi32, #tpu.memory_space<vmem>>[vector<16xi32>], vector<16xi32>,
        tpu.vector_store_idx %arg7[%add3A_177], %bitcast3A_225 : memref<40960xi32, #tpu.memory_space<vmem>>[vector<16xi32>], vector<16xi32>,
        tpu.vector_store_idx %arg7[%add3A_184], %bitcast3A_229 : memref<40960xi32, #tpu.memory_space<vmem>>[vector<16xi32>], vector<16xi32>,
        tpu.vector_store_idx %arg7[%add3A_191], %bitcast3A_233 : memref<40960xi32, #tpu.memory_space<vmem>>[vector<16xi32>], vector<16xi32>,
        %gather3A_234 = tpu.vector_load_idx %arg7[%add3A_133] : memref<40960xi32, #tpu.memory_space<vmem>>[vector<16xi32>], vector<16xi32>,
        %ne3A = arith.cmpi ne, %gather3A_234, %bitcast3A_205 : vector<16xi32>
        %gather3A_235 = tpu.vector_load_idx %arg7[%add3A_139] : memref<40960xi32, #tpu.memory_space<vmem>>[vector<16xi32>], vector<16xi32>,
        %ne3A_236 = arith.cmpi ne, %gather3A_235, %bitcast3A_209 : vector<16xi32>
        %or3A = arith.ori %ne3A, %ne3A_236 : vector<16xi1>
        %gather3A_237 = tpu.vector_load_idx %arg7[%add3A_146] : memref<40960xi32, #tpu.memory_space<vmem>>[vector<16xi32>], vector<16xi32>,
        %ne3A_238 = arith.cmpi ne, %gather3A_237, %bitcast3A_213 : vector<16xi32>
        %or3A_239 = arith.ori %or3A, %ne3A_238 : vector<16xi1>
        %gather3A_240 = tpu.vector_load_idx %arg7[%add3A_153] : memref<40960xi32, #tpu.memory_space<vmem>>[vector<16xi32>], vector<16xi32>,
        %ne3A_241 = arith.cmpi ne, %gather3A_240, %bitcast3A_217 : vector<16xi32>
        %or3A_242 = arith.ori %or3A_239, %ne3A_241 : vector<16xi1>
        %gather3A_243 = tpu.vector_load_idx %arg7[%add3A_170] : memref<40960xi32, #tpu.memory_space<vmem>>[vector<16xi32>], vector<16xi32>,
        %ne3A_244 = arith.cmpi ne, %gather3A_243, %bitcast3A_221 : vector<16xi32>
        %or3A_245 = arith.ori %or3A_242, %ne3A_244 : vector<16xi1>
        %gather3A_246 = tpu.vector_load_idx %arg7[%add3A_177] : memref<40960xi32, #tpu.memory_space<vmem>>[vector<16xi32>], vector<16xi32>,
        %ne3A_247 = arith.cmpi ne, %gather3A_246, %bitcast3A_225 : vector<16xi32>
        %or3A_248 = arith.ori %or3A_245, %ne3A_247 : vector<16xi1>
        %gather3A_249 = tpu.vector_load_idx %arg7[%add3A_184] : memref<40960xi32, #tpu.memory_space<vmem>>[vector<16xi32>], vector<16xi32>,
        %ne3A_250 = arith.cmpi ne, %gather3A_249, %bitcast3A_229 : vector<16xi32>
        %or3A_251 = arith.ori %or3A_248, %ne3A_250 : vector<16xi1>
        %gather3A_252 = tpu.vector_load_idx %arg7[%add3A_191] : memref<40960xi32, #tpu.memory_space<vmem>>[vector<16xi32>], vector<16xi32>,
        %ne3A_253 = arith.cmpi ne, %gather3A_252, %bitcast3A_233 : vector<16xi32>
        %or3A_254 = arith.ori %or3A_251, %ne3A_253 : vector<16xi1>
        %all_reduce_population_count3A = tpu.all_reduce %or3A_254 {dim = 0 : i64, kind = #tpu.reduction_kind<sum>} : vector<16xi1> -> vector<16xi32>
        %slice3A = vector.extract_strided_slice %all_reduce_population_count3A {offsets = [0], sizes = [1], strides = [1]} : vector<16xi32> to vector<1xi32>
        %squeeze3A = vector.extract %slice3A[0] : i32 from vector<1xi32>
        %gt3A = arith.constant 0 : i32
        %gt3A_255 = arith.cmpi sgt, %squeeze3A, %gt3A : i32
        %while3A = scf.while (%while3A_257 = %gt3A_255) : (i1) -> i1 {
          scf.condition(%while3A_257) %while3A_257 : i1
        } do {
        ^bb0(%while3A_257: i1):
          %gather3A_258 = tpu.vector_load_idx %arg7[%add3A_133] : memref<40960xi32, #tpu.memory_space<vmem>>[vector<16xi32>], vector<16xi32>,
          %bitcast3A_259 = vector.bitcast %bitcast3A_205 : vector<16xi32> to vector<32xi16>
          %bitcast3A_260 = vector.bitcast %gather3A_258 : vector<16xi32> to vector<32xi16>
          %max3A_261 = arith.maxsi %bitcast3A_259, %bitcast3A_260 : vector<32xi16>
          %bitcast3A_262 = vector.bitcast %max3A_261 : vector<32xi16> to vector<16xi32>
          %ne3A_263 = arith.cmpi ne, %bitcast3A_262, %gather3A_258 : vector<16xi32>
          tpu.vector_store_idx %arg7[%add3A_133], %bitcast3A_262 masked %ne3A_263 : memref<40960xi32, #tpu.memory_space<vmem>>[vector<16xi32>], vector<16xi32>, vector<16xi1>
          %all_reduce_population_count3A_264 = tpu.all_reduce %ne3A_263 {dim = 0 : i64, kind = #tpu.reduction_kind<sum>} : vector<16xi1> -> vector<16xi32>
          %slice3A_265 = vector.extract_strided_slice %all_reduce_population_count3A_264 {offsets = [0], sizes = [1], strides = [1]} : vector<16xi32> to vector<1xi32>
          %squeeze3A_266 = vector.extract %slice3A_265[0] : i32 from vector<1xi32>
          %gt3A_267 = arith.constant 0 : i32
          %gt3A_268 = arith.cmpi sgt, %squeeze3A_266, %gt3A_267 : i32
          %or3A_269 = arith.constant false
          %or3A_270 = arith.ori %or3A_269, %gt3A_268 : i1
          %gather3A_271 = tpu.vector_load_idx %arg7[%add3A_139] : memref<40960xi32, #tpu.memory_space<vmem>>[vector<16xi32>], vector<16xi32>,
          %bitcast3A_272 = vector.bitcast %bitcast3A_209 : vector<16xi32> to vector<32xi16>
          %bitcast3A_273 = vector.bitcast %gather3A_271 : vector<16xi32> to vector<32xi16>
          %max3A_274 = arith.maxsi %bitcast3A_272, %bitcast3A_273 : vector<32xi16>
          %bitcast3A_275 = vector.bitcast %max3A_274 : vector<32xi16> to vector<16xi32>
          %ne3A_276 = arith.cmpi ne, %bitcast3A_275, %gather3A_271 : vector<16xi32>
          tpu.vector_store_idx %arg7[%add3A_139], %bitcast3A_275 masked %ne3A_276 : memref<40960xi32, #tpu.memory_space<vmem>>[vector<16xi32>], vector<16xi32>, vector<16xi1>
          %all_reduce_population_count3A_277 = tpu.all_reduce %ne3A_276 {dim = 0 : i64, kind = #tpu.reduction_kind<sum>} : vector<16xi1> -> vector<16xi32>
          %slice3A_278 = vector.extract_strided_slice %all_reduce_population_count3A_277 {offsets = [0], sizes = [1], strides = [1]} : vector<16xi32> to vector<1xi32>
          %squeeze3A_279 = vector.extract %slice3A_278[0] : i32 from vector<1xi32>
          %gt3A_280 = arith.constant 0 : i32
          %gt3A_281 = arith.cmpi sgt, %squeeze3A_279, %gt3A_280 : i32
          %or3A_282 = arith.ori %or3A_270, %gt3A_281 : i1
          %gather3A_283 = tpu.vector_load_idx %arg7[%add3A_146] : memref<40960xi32, #tpu.memory_space<vmem>>[vector<16xi32>], vector<16xi32>,
          %bitcast3A_284 = vector.bitcast %bitcast3A_213 : vector<16xi32> to vector<32xi16>
          %bitcast3A_285 = vector.bitcast %gather3A_283 : vector<16xi32> to vector<32xi16>
          %max3A_286 = arith.maxsi %bitcast3A_284, %bitcast3A_285 : vector<32xi16>
          %bitcast3A_287 = vector.bitcast %max3A_286 : vector<32xi16> to vector<16xi32>
          %ne3A_288 = arith.cmpi ne, %bitcast3A_287, %gather3A_283 : vector<16xi32>
          tpu.vector_store_idx %arg7[%add3A_146], %bitcast3A_287 masked %ne3A_288 : memref<40960xi32, #tpu.memory_space<vmem>>[vector<16xi32>], vector<16xi32>, vector<16xi1>
          %all_reduce_population_count3A_289 = tpu.all_reduce %ne3A_288 {dim = 0 : i64, kind = #tpu.reduction_kind<sum>} : vector<16xi1> -> vector<16xi32>
          %slice3A_290 = vector.extract_strided_slice %all_reduce_population_count3A_289 {offsets = [0], sizes = [1], strides = [1]} : vector<16xi32> to vector<1xi32>
          %squeeze3A_291 = vector.extract %slice3A_290[0] : i32 from vector<1xi32>
          %gt3A_292 = arith.constant 0 : i32
          %gt3A_293 = arith.cmpi sgt, %squeeze3A_291, %gt3A_292 : i32
          %or3A_294 = arith.ori %or3A_282, %gt3A_293 : i1
          %gather3A_295 = tpu.vector_load_idx %arg7[%add3A_153] : memref<40960xi32, #tpu.memory_space<vmem>>[vector<16xi32>], vector<16xi32>,
          %bitcast3A_296 = vector.bitcast %bitcast3A_217 : vector<16xi32> to vector<32xi16>
          %bitcast3A_297 = vector.bitcast %gather3A_295 : vector<16xi32> to vector<32xi16>
          %max3A_298 = arith.maxsi %bitcast3A_296, %bitcast3A_297 : vector<32xi16>
          %bitcast3A_299 = vector.bitcast %max3A_298 : vector<32xi16> to vector<16xi32>
          %ne3A_300 = arith.cmpi ne, %bitcast3A_299, %gather3A_295 : vector<16xi32>
          tpu.vector_store_idx %arg7[%add3A_153], %bitcast3A_299 masked %ne3A_300 : memref<40960xi32, #tpu.memory_space<vmem>>[vector<16xi32>], vector<16xi32>, vector<16xi1>
          %all_reduce_population_count3A_301 = tpu.all_reduce %ne3A_300 {dim = 0 : i64, kind = #tpu.reduction_kind<sum>} : vector<16xi1> -> vector<16xi32>
          %slice3A_302 = vector.extract_strided_slice %all_reduce_population_count3A_301 {offsets = [0], sizes = [1], strides = [1]} : vector<16xi32> to vector<1xi32>
          %squeeze3A_303 = vector.extract %slice3A_302[0] : i32 from vector<1xi32>
          %gt3A_304 = arith.constant 0 : i32
          %gt3A_305 = arith.cmpi sgt, %squeeze3A_303, %gt3A_304 : i32
          %or3A_306 = arith.ori %or3A_294, %gt3A_305 : i1
          %gather3A_307 = tpu.vector_load_idx %arg7[%add3A_170] : memref<40960xi32, #tpu.memory_space<vmem>>[vector<16xi32>], vector<16xi32>,
          %bitcast3A_308 = vector.bitcast %bitcast3A_221 : vector<16xi32> to vector<32xi16>
          %bitcast3A_309 = vector.bitcast %gather3A_307 : vector<16xi32> to vector<32xi16>
          %max3A_310 = arith.maxsi %bitcast3A_308, %bitcast3A_309 : vector<32xi16>
          %bitcast3A_311 = vector.bitcast %max3A_310 : vector<32xi16> to vector<16xi32>
          %ne3A_312 = arith.cmpi ne, %bitcast3A_311, %gather3A_307 : vector<16xi32>
          tpu.vector_store_idx %arg7[%add3A_170], %bitcast3A_311 masked %ne3A_312 : memref<40960xi32, #tpu.memory_space<vmem>>[vector<16xi32>], vector<16xi32>, vector<16xi1>
          %all_reduce_population_count3A_313 = tpu.all_reduce %ne3A_312 {dim = 0 : i64, kind = #tpu.reduction_kind<sum>} : vector<16xi1> -> vector<16xi32>
          %slice3A_314 = vector.extract_strided_slice %all_reduce_population_count3A_313 {offsets = [0], sizes = [1], strides = [1]} : vector<16xi32> to vector<1xi32>
          %squeeze3A_315 = vector.extract %slice3A_314[0] : i32 from vector<1xi32>
          %gt3A_316 = arith.constant 0 : i32
          %gt3A_317 = arith.cmpi sgt, %squeeze3A_315, %gt3A_316 : i32
          %or3A_318 = arith.ori %or3A_306, %gt3A_317 : i1
          %gather3A_319 = tpu.vector_load_idx %arg7[%add3A_177] : memref<40960xi32, #tpu.memory_space<vmem>>[vector<16xi32>], vector<16xi32>,
          %bitcast3A_320 = vector.bitcast %bitcast3A_225 : vector<16xi32> to vector<32xi16>
          %bitcast3A_321 = vector.bitcast %gather3A_319 : vector<16xi32> to vector<32xi16>
          %max3A_322 = arith.maxsi %bitcast3A_320, %bitcast3A_321 : vector<32xi16>
          %bitcast3A_323 = vector.bitcast %max3A_322 : vector<32xi16> to vector<16xi32>
          %ne3A_324 = arith.cmpi ne, %bitcast3A_323, %gather3A_319 : vector<16xi32>
          tpu.vector_store_idx %arg7[%add3A_177], %bitcast3A_323 masked %ne3A_324 : memref<40960xi32, #tpu.memory_space<vmem>>[vector<16xi32>], vector<16xi32>, vector<16xi1>
          %all_reduce_population_count3A_325 = tpu.all_reduce %ne3A_324 {dim = 0 : i64, kind = #tpu.reduction_kind<sum>} : vector<16xi1> -> vector<16xi32>
          %slice3A_326 = vector.extract_strided_slice %all_reduce_population_count3A_325 {offsets = [0], sizes = [1], strides = [1]} : vector<16xi32> to vector<1xi32>
          %squeeze3A_327 = vector.extract %slice3A_326[0] : i32 from vector<1xi32>
          %gt3A_328 = arith.constant 0 : i32
          %gt3A_329 = arith.cmpi sgt, %squeeze3A_327, %gt3A_328 : i32
          %or3A_330 = arith.ori %or3A_318, %gt3A_329 : i1
          %gather3A_331 = tpu.vector_load_idx %arg7[%add3A_184] : memref<40960xi32, #tpu.memory_space<vmem>>[vector<16xi32>], vector<16xi32>,
          %bitcast3A_332 = vector.bitcast %bitcast3A_229 : vector<16xi32> to vector<32xi16>
          %bitcast3A_333 = vector.bitcast %gather3A_331 : vector<16xi32> to vector<32xi16>
          %max3A_334 = arith.maxsi %bitcast3A_332, %bitcast3A_333 : vector<32xi16>
          %bitcast3A_335 = vector.bitcast %max3A_334 : vector<32xi16> to vector<16xi32>
          %ne3A_336 = arith.cmpi ne, %bitcast3A_335, %gather3A_331 : vector<16xi32>
          tpu.vector_store_idx %arg7[%add3A_184], %bitcast3A_335 masked %ne3A_336 : memref<40960xi32, #tpu.memory_space<vmem>>[vector<16xi32>], vector<16xi32>, vector<16xi1>
          %all_reduce_population_count3A_337 = tpu.all_reduce %ne3A_336 {dim = 0 : i64, kind = #tpu.reduction_kind<sum>} : vector<16xi1> -> vector<16xi32>
          %slice3A_338 = vector.extract_strided_slice %all_reduce_population_count3A_337 {offsets = [0], sizes = [1], strides = [1]} : vector<16xi32> to vector<1xi32>
          %squeeze3A_339 = vector.extract %slice3A_338[0] : i32 from vector<1xi32>
          %gt3A_340 = arith.constant 0 : i32
          %gt3A_341 = arith.cmpi sgt, %squeeze3A_339, %gt3A_340 : i32
          %or3A_342 = arith.ori %or3A_330, %gt3A_341 : i1
          %gather3A_343 = tpu.vector_load_idx %arg7[%add3A_191] : memref<40960xi32, #tpu.memory_space<vmem>>[vector<16xi32>], vector<16xi32>,
          %bitcast3A_344 = vector.bitcast %bitcast3A_233 : vector<16xi32> to vector<32xi16>
          %bitcast3A_345 = vector.bitcast %gather3A_343 : vector<16xi32> to vector<32xi16>
          %max3A_346 = arith.maxsi %bitcast3A_344, %bitcast3A_345 : vector<32xi16>
          %bitcast3A_347 = vector.bitcast %max3A_346 : vector<32xi16> to vector<16xi32>
          %ne3A_348 = arith.cmpi ne, %bitcast3A_347, %gather3A_343 : vector<16xi32>
          tpu.vector_store_idx %arg7[%add3A_191], %bitcast3A_347 masked %ne3A_348 : memref<40960xi32, #tpu.memory_space<vmem>>[vector<16xi32>], vector<16xi32>, vector<16xi1>
          %all_reduce_population_count3A_349 = tpu.all_reduce %ne3A_348 {dim = 0 : i64, kind = #tpu.reduction_kind<sum>} : vector<16xi1> -> vector<16xi32>
          %slice3A_350 = vector.extract_strided_slice %all_reduce_population_count3A_349 {offsets = [0], sizes = [1], strides = [1]} : vector<16xi32> to vector<1xi32>
          %squeeze3A_351 = vector.extract %slice3A_350[0] : i32 from vector<1xi32>
          %gt3A_352 = arith.constant 0 : i32
          %gt3A_353 = arith.cmpi sgt, %squeeze3A_351, %gt3A_352 : i32
          %or3A_354 = arith.ori %or3A_342, %gt3A_353 : i1
          scf.yield %or3A_354 : i1
        }
        %scan3A_256 = arith.constant 0 : i32
        scf.yield %scan3A_256 : i32
      }
      %scan3A_70 = arith.constant 250 : i32
      %add3A_71 = arith.constant 2 : i32
      %add3A_72 = arith.addi %add3A_53, %add3A_71 : i32
      %rem3A = arith.constant 20 : i32
      %rem3A_73 = arith.remsi %add3A_72, %rem3A : i32
      %mul3A_74 = arith.constant 8000 : i32
      %mul3A_75 = arith.muli %rem3A_73, %mul3A_74 : i32
      %add3A_76 = arith.addi %mul3A_8, %mul3A_75 : i32
      %dma_start3A_77 = tpu.memref_slice %arg3[%add3A_76] : memref<320000xi32, #tpu.memory_space<hbm>> -> memref<8000xi32, #tpu.memory_space<hbm>>
      %dma_start3A_78 = tpu.memref_slice %arg3[%add3A_76] : memref<320000xi32, #tpu.memory_space<hbm>> -> memref<8000xi32, #tpu.memory_space<hbm>>
      tpu.enqueue_dma source(%dma_start3A_78 : memref<8000xi32, #tpu.memory_space<hbm>>) target(%arg8 : memref<8000xi32, #tpu.memory_space<vmem>>) target_semaphore(%arg12 : memref<!tpu.dma_semaphore, #tpu.memory_space<semaphore_mem>>)
      %mul3A_79 = arith.constant 8000 : i32
      %mul3A_80 = arith.muli %rem3A_73, %mul3A_79 : i32
      %add3A_81 = arith.addi %mul3A_8, %mul3A_80 : i32
      %dma_start3A_82 = tpu.memref_slice %arg4[%add3A_81] : memref<320000xi32, #tpu.memory_space<hbm>> -> memref<8000xi32, #tpu.memory_space<hbm>>
      %dma_start3A_83 = tpu.memref_slice %arg4[%add3A_81] : memref<320000xi32, #tpu.memory_space<hbm>> -> memref<8000xi32, #tpu.memory_space<hbm>>
      tpu.enqueue_dma source(%dma_start3A_83 : memref<8000xi32, #tpu.memory_space<hbm>>) target(%arg10 : memref<8000xi32, #tpu.memory_space<vmem>>) target_semaphore(%arg14 : memref<!tpu.dma_semaphore, #tpu.memory_space<semaphore_mem>>)
      %mul3A_84 = arith.constant 2 : i32
      %mul3A_85 = arith.muli %scan3A_48, %mul3A_84 : i32
      %add3A_86 = arith.constant 1 : i32
      %add3A_87 = arith.addi %mul3A_85, %add3A_86 : i32
      %mul3A_88 = arith.constant 8000 : i32
      %mul3A_89 = arith.muli %add3A_87, %mul3A_88 : i32
      %add3A_90 = arith.addi %mul3A_8, %mul3A_89 : i32
      %dma_wait3A_91 = tpu.memref_slice %arg3[%add3A_90] : memref<320000xi32, #tpu.memory_space<hbm>> -> memref<8000xi32, #tpu.memory_space<hbm>>
      %dma_wait3A_92 = tpu.memref_slice %arg3[%add3A_90] : memref<320000xi32, #tpu.memory_space<hbm>> -> memref<8000xi32, #tpu.memory_space<hbm>>
      tpu.wait_dma2 semaphore(%arg13 : memref<!tpu.dma_semaphore, #tpu.memory_space<semaphore_mem>>) src(%dma_wait3A_92 : memref<8000xi32, #tpu.memory_space<hbm>>) dst(%arg9 : memref<8000xi32, #tpu.memory_space<vmem>>)
      %mul3A_93 = arith.constant 8000 : i32
      %mul3A_94 = arith.muli %add3A_87, %mul3A_93 : i32
      %add3A_95 = arith.addi %mul3A_8, %mul3A_94 : i32
      %dma_wait3A_96 = tpu.memref_slice %arg4[%add3A_95] : memref<320000xi32, #tpu.memory_space<hbm>> -> memref<8000xi32, #tpu.memory_space<hbm>>
      %dma_wait3A_97 = tpu.memref_slice %arg4[%add3A_95] : memref<320000xi32, #tpu.memory_space<hbm>> -> memref<8000xi32, #tpu.memory_space<hbm>>
      tpu.wait_dma2 semaphore(%arg15 : memref<!tpu.dma_semaphore, #tpu.memory_space<semaphore_mem>>) src(%dma_wait3A_97 : memref<8000xi32, #tpu.memory_space<hbm>>) dst(%arg11 : memref<8000xi32, #tpu.memory_space<vmem>>)
      %scan3A_98 = arith.constant 0 : i32
      %scan3A_99 = arith.constant 0 : i32
      %scan3A_100 = arith.constant 250 : i32
      %scan3A_101 = arith.addi %scan3A_99, %scan3A_100 : i32
      %scan3A_102 = arith.constant 1 : i32
      %scan3A_103 = scf.for %scan3A_120 = %scan3A_99 to %scan3A_101 step %scan3A_102 iter_args(%scan3A_121 = %scan3A_98) -> (i32)  : i32 {
        %mul3A_122 = arith.constant 2 : i32
        %mul3A_123 = arith.muli %scan3A_120, %mul3A_122 : i32
        %add3A_124 = arith.constant 0 : i32
        %add3A_125 = arith.addi %mul3A_123, %add3A_124 : i32
        %mul3A_126 = arith.constant 16 : i32
        %mul3A_127 = arith.muli %add3A_125, %mul3A_126 : i32
        %get3A = arith.index_cast %mul3A_127 : i32 to index
        %get3A_128 = tpu.vector_load %arg9[%get3A] {strides = array<i32>} : memref<8000xi32, #tpu.memory_space<vmem>>, vector<16xi32>,
        %get3A_129 = arith.index_cast %mul3A_127 : i32 to index
        %get3A_130 = tpu.vector_load %arg11[%get3A_129] {strides = array<i32>} : memref<8000xi32, #tpu.memory_space<vmem>>, vector<16xi32>,
        %add3A_131 = arith.constant 0 : i32
        %add3A_132 = vector.broadcast %add3A_131 : i32 to vector<16xi32>
        %add3A_133 = arith.addi %get3A_130, %add3A_132 : vector<16xi32>
        %add3A_134 = arith.constant 0 : i32
        %add3A_135 = vector.broadcast %add3A_134 : i32 to vector<16xi32>
        %add3A_136 = arith.addi %get3A_128, %add3A_135 : vector<16xi32>
        %gather3A = tpu.vector_load_idx %arg6[%add3A_136] : memref<40960xi32, #tpu.memory_space<vmem>>[vector<16xi32>], vector<16xi32>,
        %add3A_137 = arith.constant 10240 : i32
        %add3A_138 = vector.broadcast %add3A_137 : i32 to vector<16xi32>
        %add3A_139 = arith.addi %get3A_130, %add3A_138 : vector<16xi32>
        %add3A_140 = arith.constant 10240 : i32
        %add3A_141 = vector.broadcast %add3A_140 : i32 to vector<16xi32>
        %add3A_142 = arith.addi %get3A_128, %add3A_141 : vector<16xi32>
        %gather3A_143 = tpu.vector_load_idx %arg6[%add3A_142] : memref<40960xi32, #tpu.memory_space<vmem>>[vector<16xi32>], vector<16xi32>,
        %add3A_144 = arith.constant 20480 : i32
        %add3A_145 = vector.broadcast %add3A_144 : i32 to vector<16xi32>
        %add3A_146 = arith.addi %get3A_130, %add3A_145 : vector<16xi32>
        %add3A_147 = arith.constant 20480 : i32
        %add3A_148 = vector.broadcast %add3A_147 : i32 to vector<16xi32>
        %add3A_149 = arith.addi %get3A_128, %add3A_148 : vector<16xi32>
        %gather3A_150 = tpu.vector_load_idx %arg6[%add3A_149] : memref<40960xi32, #tpu.memory_space<vmem>>[vector<16xi32>], vector<16xi32>,
        %add3A_151 = arith.constant 30720 : i32
        %add3A_152 = vector.broadcast %add3A_151 : i32 to vector<16xi32>
        %add3A_153 = arith.addi %get3A_130, %add3A_152 : vector<16xi32>
        %add3A_154 = arith.constant 30720 : i32
        %add3A_155 = vector.broadcast %add3A_154 : i32 to vector<16xi32>
        %add3A_156 = arith.addi %get3A_128, %add3A_155 : vector<16xi32>
        %gather3A_157 = tpu.vector_load_idx %arg6[%add3A_156] : memref<40960xi32, #tpu.memory_space<vmem>>[vector<16xi32>], vector<16xi32>,
        %mul3A_158 = arith.constant 2 : i32
        %mul3A_159 = arith.muli %scan3A_120, %mul3A_158 : i32
        %add3A_160 = arith.constant 1 : i32
        %add3A_161 = arith.addi %mul3A_159, %add3A_160 : i32
        %mul3A_162 = arith.constant 16 : i32
        %mul3A_163 = arith.muli %add3A_161, %mul3A_162 : i32
        %get3A_164 = arith.index_cast %mul3A_163 : i32 to index
        %get3A_165 = tpu.vector_load %arg9[%get3A_164] {strides = array<i32>} : memref<8000xi32, #tpu.memory_space<vmem>>, vector<16xi32>,
        %get3A_166 = arith.index_cast %mul3A_163 : i32 to index
        %get3A_167 = tpu.vector_load %arg11[%get3A_166] {strides = array<i32>} : memref<8000xi32, #tpu.memory_space<vmem>>, vector<16xi32>,
        %add3A_168 = arith.constant 0 : i32
        %add3A_169 = vector.broadcast %add3A_168 : i32 to vector<16xi32>
        %add3A_170 = arith.addi %get3A_167, %add3A_169 : vector<16xi32>
        %add3A_171 = arith.constant 0 : i32
        %add3A_172 = vector.broadcast %add3A_171 : i32 to vector<16xi32>
        %add3A_173 = arith.addi %get3A_165, %add3A_172 : vector<16xi32>
        %gather3A_174 = tpu.vector_load_idx %arg6[%add3A_173] : memref<40960xi32, #tpu.memory_space<vmem>>[vector<16xi32>], vector<16xi32>,
        %add3A_175 = arith.constant 10240 : i32
        %add3A_176 = vector.broadcast %add3A_175 : i32 to vector<16xi32>
        %add3A_177 = arith.addi %get3A_167, %add3A_176 : vector<16xi32>
        %add3A_178 = arith.constant 10240 : i32
        %add3A_179 = vector.broadcast %add3A_178 : i32 to vector<16xi32>
        %add3A_180 = arith.addi %get3A_165, %add3A_179 : vector<16xi32>
        %gather3A_181 = tpu.vector_load_idx %arg6[%add3A_180] : memref<40960xi32, #tpu.memory_space<vmem>>[vector<16xi32>], vector<16xi32>,
        %add3A_182 = arith.constant 20480 : i32
        %add3A_183 = vector.broadcast %add3A_182 : i32 to vector<16xi32>
        %add3A_184 = arith.addi %get3A_167, %add3A_183 : vector<16xi32>
        %add3A_185 = arith.constant 20480 : i32
        %add3A_186 = vector.broadcast %add3A_185 : i32 to vector<16xi32>
        %add3A_187 = arith.addi %get3A_165, %add3A_186 : vector<16xi32>
        %gather3A_188 = tpu.vector_load_idx %arg6[%add3A_187] : memref<40960xi32, #tpu.memory_space<vmem>>[vector<16xi32>], vector<16xi32>,
        %add3A_189 = arith.constant 30720 : i32
        %add3A_190 = vector.broadcast %add3A_189 : i32 to vector<16xi32>
        %add3A_191 = arith.addi %get3A_167, %add3A_190 : vector<16xi32>
        %add3A_192 = arith.constant 30720 : i32
        %add3A_193 = vector.broadcast %add3A_192 : i32 to vector<16xi32>
        %add3A_194 = arith.addi %get3A_165, %add3A_193 : vector<16xi32>
        %gather3A_195 = tpu.vector_load_idx %arg6[%add3A_194] : memref<40960xi32, #tpu.memory_space<vmem>>[vector<16xi32>], vector<16xi32>,
        %gather3A_196 = tpu.vector_load_idx %arg7[%add3A_133] : memref<40960xi32, #tpu.memory_space<vmem>>[vector<16xi32>], vector<16xi32>,
        %gather3A_197 = tpu.vector_load_idx %arg7[%add3A_139] : memref<40960xi32, #tpu.memory_space<vmem>>[vector<16xi32>], vector<16xi32>,
        %gather3A_198 = tpu.vector_load_idx %arg7[%add3A_146] : memref<40960xi32, #tpu.memory_space<vmem>>[vector<16xi32>], vector<16xi32>,
        %gather3A_199 = tpu.vector_load_idx %arg7[%add3A_153] : memref<40960xi32, #tpu.memory_space<vmem>>[vector<16xi32>], vector<16xi32>,
        %gather3A_200 = tpu.vector_load_idx %arg7[%add3A_170] : memref<40960xi32, #tpu.memory_space<vmem>>[vector<16xi32>], vector<16xi32>,
        %gather3A_201 = tpu.vector_load_idx %arg7[%add3A_177] : memref<40960xi32, #tpu.memory_space<vmem>>[vector<16xi32>], vector<16xi32>,
        %gather3A_202 = tpu.vector_load_idx %arg7[%add3A_184] : memref<40960xi32, #tpu.memory_space<vmem>>[vector<16xi32>], vector<16xi32>,
        %gather3A_203 = tpu.vector_load_idx %arg7[%add3A_191] : memref<40960xi32, #tpu.memory_space<vmem>>[vector<16xi32>], vector<16xi32>,
        %bitcast3A = vector.bitcast %gather3A : vector<16xi32> to vector<32xi16>
        %bitcast3A_204 = vector.bitcast %gather3A_196 : vector<16xi32> to vector<32xi16>
        %max3A = arith.maxsi %bitcast3A, %bitcast3A_204 : vector<32xi16>
        %bitcast3A_205 = vector.bitcast %max3A : vector<32xi16> to vector<16xi32>
        %bitcast3A_206 = vector.bitcast %gather3A_143 : vector<16xi32> to vector<32xi16>
        %bitcast3A_207 = vector.bitcast %gather3A_197 : vector<16xi32> to vector<32xi16>
        %max3A_208 = arith.maxsi %bitcast3A_206, %bitcast3A_207 : vector<32xi16>
        %bitcast3A_209 = vector.bitcast %max3A_208 : vector<32xi16> to vector<16xi32>
        %bitcast3A_210 = vector.bitcast %gather3A_150 : vector<16xi32> to vector<32xi16>
        %bitcast3A_211 = vector.bitcast %gather3A_198 : vector<16xi32> to vector<32xi16>
        %max3A_212 = arith.maxsi %bitcast3A_210, %bitcast3A_211 : vector<32xi16>
        %bitcast3A_213 = vector.bitcast %max3A_212 : vector<32xi16> to vector<16xi32>
        %bitcast3A_214 = vector.bitcast %gather3A_157 : vector<16xi32> to vector<32xi16>
        %bitcast3A_215 = vector.bitcast %gather3A_199 : vector<16xi32> to vector<32xi16>
        %max3A_216 = arith.maxsi %bitcast3A_214, %bitcast3A_215 : vector<32xi16>
        %bitcast3A_217 = vector.bitcast %max3A_216 : vector<32xi16> to vector<16xi32>
        %bitcast3A_218 = vector.bitcast %gather3A_174 : vector<16xi32> to vector<32xi16>
        %bitcast3A_219 = vector.bitcast %gather3A_200 : vector<16xi32> to vector<32xi16>
        %max3A_220 = arith.maxsi %bitcast3A_218, %bitcast3A_219 : vector<32xi16>
        %bitcast3A_221 = vector.bitcast %max3A_220 : vector<32xi16> to vector<16xi32>
        %bitcast3A_222 = vector.bitcast %gather3A_181 : vector<16xi32> to vector<32xi16>
        %bitcast3A_223 = vector.bitcast %gather3A_201 : vector<16xi32> to vector<32xi16>
        %max3A_224 = arith.maxsi %bitcast3A_222, %bitcast3A_223 : vector<32xi16>
        %bitcast3A_225 = vector.bitcast %max3A_224 : vector<32xi16> to vector<16xi32>
        %bitcast3A_226 = vector.bitcast %gather3A_188 : vector<16xi32> to vector<32xi16>
        %bitcast3A_227 = vector.bitcast %gather3A_202 : vector<16xi32> to vector<32xi16>
        %max3A_228 = arith.maxsi %bitcast3A_226, %bitcast3A_227 : vector<32xi16>
        %bitcast3A_229 = vector.bitcast %max3A_228 : vector<32xi16> to vector<16xi32>
        %bitcast3A_230 = vector.bitcast %gather3A_195 : vector<16xi32> to vector<32xi16>
        %bitcast3A_231 = vector.bitcast %gather3A_203 : vector<16xi32> to vector<32xi16>
        %max3A_232 = arith.maxsi %bitcast3A_230, %bitcast3A_231 : vector<32xi16>
        %bitcast3A_233 = vector.bitcast %max3A_232 : vector<32xi16> to vector<16xi32>
        tpu.vector_store_idx %arg7[%add3A_133], %bitcast3A_205 : memref<40960xi32, #tpu.memory_space<vmem>>[vector<16xi32>], vector<16xi32>,
        tpu.vector_store_idx %arg7[%add3A_139], %bitcast3A_209 : memref<40960xi32, #tpu.memory_space<vmem>>[vector<16xi32>], vector<16xi32>,
        tpu.vector_store_idx %arg7[%add3A_146], %bitcast3A_213 : memref<40960xi32, #tpu.memory_space<vmem>>[vector<16xi32>], vector<16xi32>,
        tpu.vector_store_idx %arg7[%add3A_153], %bitcast3A_217 : memref<40960xi32, #tpu.memory_space<vmem>>[vector<16xi32>], vector<16xi32>,
        tpu.vector_store_idx %arg7[%add3A_170], %bitcast3A_221 : memref<40960xi32, #tpu.memory_space<vmem>>[vector<16xi32>], vector<16xi32>,
        tpu.vector_store_idx %arg7[%add3A_177], %bitcast3A_225 : memref<40960xi32, #tpu.memory_space<vmem>>[vector<16xi32>], vector<16xi32>,
        tpu.vector_store_idx %arg7[%add3A_184], %bitcast3A_229 : memref<40960xi32, #tpu.memory_space<vmem>>[vector<16xi32>], vector<16xi32>,
        tpu.vector_store_idx %arg7[%add3A_191], %bitcast3A_233 : memref<40960xi32, #tpu.memory_space<vmem>>[vector<16xi32>], vector<16xi32>,
        %gather3A_234 = tpu.vector_load_idx %arg7[%add3A_133] : memref<40960xi32, #tpu.memory_space<vmem>>[vector<16xi32>], vector<16xi32>,
        %ne3A = arith.cmpi ne, %gather3A_234, %bitcast3A_205 : vector<16xi32>
        %gather3A_235 = tpu.vector_load_idx %arg7[%add3A_139] : memref<40960xi32, #tpu.memory_space<vmem>>[vector<16xi32>], vector<16xi32>,
        %ne3A_236 = arith.cmpi ne, %gather3A_235, %bitcast3A_209 : vector<16xi32>
        %or3A = arith.ori %ne3A, %ne3A_236 : vector<16xi1>
        %gather3A_237 = tpu.vector_load_idx %arg7[%add3A_146] : memref<40960xi32, #tpu.memory_space<vmem>>[vector<16xi32>], vector<16xi32>,
        %ne3A_238 = arith.cmpi ne, %gather3A_237, %bitcast3A_213 : vector<16xi32>
        %or3A_239 = arith.ori %or3A, %ne3A_238 : vector<16xi1>
        %gather3A_240 = tpu.vector_load_idx %arg7[%add3A_153] : memref<40960xi32, #tpu.memory_space<vmem>>[vector<16xi32>], vector<16xi32>,
        %ne3A_241 = arith.cmpi ne, %gather3A_240, %bitcast3A_217 : vector<16xi32>
        %or3A_242 = arith.ori %or3A_239, %ne3A_241 : vector<16xi1>
        %gather3A_243 = tpu.vector_load_idx %arg7[%add3A_170] : memref<40960xi32, #tpu.memory_space<vmem>>[vector<16xi32>], vector<16xi32>,
        %ne3A_244 = arith.cmpi ne, %gather3A_243, %bitcast3A_221 : vector<16xi32>
        %or3A_245 = arith.ori %or3A_242, %ne3A_244 : vector<16xi1>
        %gather3A_246 = tpu.vector_load_idx %arg7[%add3A_177] : memref<40960xi32, #tpu.memory_space<vmem>>[vector<16xi32>], vector<16xi32>,
        %ne3A_247 = arith.cmpi ne, %gather3A_246, %bitcast3A_225 : vector<16xi32>
        %or3A_248 = arith.ori %or3A_245, %ne3A_247 : vector<16xi1>
        %gather3A_249 = tpu.vector_load_idx %arg7[%add3A_184] : memref<40960xi32, #tpu.memory_space<vmem>>[vector<16xi32>], vector<16xi32>,
        %ne3A_250 = arith.cmpi ne, %gather3A_249, %bitcast3A_229 : vector<16xi32>
        %or3A_251 = arith.ori %or3A_248, %ne3A_250 : vector<16xi1>
        %gather3A_252 = tpu.vector_load_idx %arg7[%add3A_191] : memref<40960xi32, #tpu.memory_space<vmem>>[vector<16xi32>], vector<16xi32>,
        %ne3A_253 = arith.cmpi ne, %gather3A_252, %bitcast3A_233 : vector<16xi32>
        %or3A_254 = arith.ori %or3A_251, %ne3A_253 : vector<16xi1>
        %all_reduce_population_count3A = tpu.all_reduce %or3A_254 {dim = 0 : i64, kind = #tpu.reduction_kind<sum>} : vector<16xi1> -> vector<16xi32>
        %slice3A = vector.extract_strided_slice %all_reduce_population_count3A {offsets = [0], sizes = [1], strides = [1]} : vector<16xi32> to vector<1xi32>
        %squeeze3A = vector.extract %slice3A[0] : i32 from vector<1xi32>
        %gt3A = arith.constant 0 : i32
        %gt3A_255 = arith.cmpi sgt, %squeeze3A, %gt3A : i32
        %while3A = scf.while (%while3A_257 = %gt3A_255) : (i1) -> i1 {
          scf.condition(%while3A_257) %while3A_257 : i1
        } do {
        ^bb0(%while3A_257: i1):
          %gather3A_258 = tpu.vector_load_idx %arg7[%add3A_133] : memref<40960xi32, #tpu.memory_space<vmem>>[vector<16xi32>], vector<16xi32>,
          %bitcast3A_259 = vector.bitcast %bitcast3A_205 : vector<16xi32> to vector<32xi16>
          %bitcast3A_260 = vector.bitcast %gather3A_258 : vector<16xi32> to vector<32xi16>
          %max3A_261 = arith.maxsi %bitcast3A_259, %bitcast3A_260 : vector<32xi16>
          %bitcast3A_262 = vector.bitcast %max3A_261 : vector<32xi16> to vector<16xi32>
          %ne3A_263 = arith.cmpi ne, %bitcast3A_262, %gather3A_258 : vector<16xi32>
          tpu.vector_store_idx %arg7[%add3A_133], %bitcast3A_262 masked %ne3A_263 : memref<40960xi32, #tpu.memory_space<vmem>>[vector<16xi32>], vector<16xi32>, vector<16xi1>
          %all_reduce_population_count3A_264 = tpu.all_reduce %ne3A_263 {dim = 0 : i64, kind = #tpu.reduction_kind<sum>} : vector<16xi1> -> vector<16xi32>
          %slice3A_265 = vector.extract_strided_slice %all_reduce_population_count3A_264 {offsets = [0], sizes = [1], strides = [1]} : vector<16xi32> to vector<1xi32>
          %squeeze3A_266 = vector.extract %slice3A_265[0] : i32 from vector<1xi32>
          %gt3A_267 = arith.constant 0 : i32
          %gt3A_268 = arith.cmpi sgt, %squeeze3A_266, %gt3A_267 : i32
          %or3A_269 = arith.constant false
          %or3A_270 = arith.ori %or3A_269, %gt3A_268 : i1
          %gather3A_271 = tpu.vector_load_idx %arg7[%add3A_139] : memref<40960xi32, #tpu.memory_space<vmem>>[vector<16xi32>], vector<16xi32>,
          %bitcast3A_272 = vector.bitcast %bitcast3A_209 : vector<16xi32> to vector<32xi16>
          %bitcast3A_273 = vector.bitcast %gather3A_271 : vector<16xi32> to vector<32xi16>
          %max3A_274 = arith.maxsi %bitcast3A_272, %bitcast3A_273 : vector<32xi16>
          %bitcast3A_275 = vector.bitcast %max3A_274 : vector<32xi16> to vector<16xi32>
          %ne3A_276 = arith.cmpi ne, %bitcast3A_275, %gather3A_271 : vector<16xi32>
          tpu.vector_store_idx %arg7[%add3A_139], %bitcast3A_275 masked %ne3A_276 : memref<40960xi32, #tpu.memory_space<vmem>>[vector<16xi32>], vector<16xi32>, vector<16xi1>
          %all_reduce_population_count3A_277 = tpu.all_reduce %ne3A_276 {dim = 0 : i64, kind = #tpu.reduction_kind<sum>} : vector<16xi1> -> vector<16xi32>
          %slice3A_278 = vector.extract_strided_slice %all_reduce_population_count3A_277 {offsets = [0], sizes = [1], strides = [1]} : vector<16xi32> to vector<1xi32>
          %squeeze3A_279 = vector.extract %slice3A_278[0] : i32 from vector<1xi32>
          %gt3A_280 = arith.constant 0 : i32
          %gt3A_281 = arith.cmpi sgt, %squeeze3A_279, %gt3A_280 : i32
          %or3A_282 = arith.ori %or3A_270, %gt3A_281 : i1
          %gather3A_283 = tpu.vector_load_idx %arg7[%add3A_146] : memref<40960xi32, #tpu.memory_space<vmem>>[vector<16xi32>], vector<16xi32>,
          %bitcast3A_284 = vector.bitcast %bitcast3A_213 : vector<16xi32> to vector<32xi16>
          %bitcast3A_285 = vector.bitcast %gather3A_283 : vector<16xi32> to vector<32xi16>
          %max3A_286 = arith.maxsi %bitcast3A_284, %bitcast3A_285 : vector<32xi16>
          %bitcast3A_287 = vector.bitcast %max3A_286 : vector<32xi16> to vector<16xi32>
          %ne3A_288 = arith.cmpi ne, %bitcast3A_287, %gather3A_283 : vector<16xi32>
          tpu.vector_store_idx %arg7[%add3A_146], %bitcast3A_287 masked %ne3A_288 : memref<40960xi32, #tpu.memory_space<vmem>>[vector<16xi32>], vector<16xi32>, vector<16xi1>
          %all_reduce_population_count3A_289 = tpu.all_reduce %ne3A_288 {dim = 0 : i64, kind = #tpu.reduction_kind<sum>} : vector<16xi1> -> vector<16xi32>
          %slice3A_290 = vector.extract_strided_slice %all_reduce_population_count3A_289 {offsets = [0], sizes = [1], strides = [1]} : vector<16xi32> to vector<1xi32>
          %squeeze3A_291 = vector.extract %slice3A_290[0] : i32 from vector<1xi32>
          %gt3A_292 = arith.constant 0 : i32
          %gt3A_293 = arith.cmpi sgt, %squeeze3A_291, %gt3A_292 : i32
          %or3A_294 = arith.ori %or3A_282, %gt3A_293 : i1
          %gather3A_295 = tpu.vector_load_idx %arg7[%add3A_153] : memref<40960xi32, #tpu.memory_space<vmem>>[vector<16xi32>], vector<16xi32>,
          %bitcast3A_296 = vector.bitcast %bitcast3A_217 : vector<16xi32> to vector<32xi16>
          %bitcast3A_297 = vector.bitcast %gather3A_295 : vector<16xi32> to vector<32xi16>
          %max3A_298 = arith.maxsi %bitcast3A_296, %bitcast3A_297 : vector<32xi16>
          %bitcast3A_299 = vector.bitcast %max3A_298 : vector<32xi16> to vector<16xi32>
          %ne3A_300 = arith.cmpi ne, %bitcast3A_299, %gather3A_295 : vector<16xi32>
          tpu.vector_store_idx %arg7[%add3A_153], %bitcast3A_299 masked %ne3A_300 : memref<40960xi32, #tpu.memory_space<vmem>>[vector<16xi32>], vector<16xi32>, vector<16xi1>
          %all_reduce_population_count3A_301 = tpu.all_reduce %ne3A_300 {dim = 0 : i64, kind = #tpu.reduction_kind<sum>} : vector<16xi1> -> vector<16xi32>
          %slice3A_302 = vector.extract_strided_slice %all_reduce_population_count3A_301 {offsets = [0], sizes = [1], strides = [1]} : vector<16xi32> to vector<1xi32>
          %squeeze3A_303 = vector.extract %slice3A_302[0] : i32 from vector<1xi32>
          %gt3A_304 = arith.constant 0 : i32
          %gt3A_305 = arith.cmpi sgt, %squeeze3A_303, %gt3A_304 : i32
          %or3A_306 = arith.ori %or3A_294, %gt3A_305 : i1
          %gather3A_307 = tpu.vector_load_idx %arg7[%add3A_170] : memref<40960xi32, #tpu.memory_space<vmem>>[vector<16xi32>], vector<16xi32>,
          %bitcast3A_308 = vector.bitcast %bitcast3A_221 : vector<16xi32> to vector<32xi16>
          %bitcast3A_309 = vector.bitcast %gather3A_307 : vector<16xi32> to vector<32xi16>
          %max3A_310 = arith.maxsi %bitcast3A_308, %bitcast3A_309 : vector<32xi16>
          %bitcast3A_311 = vector.bitcast %max3A_310 : vector<32xi16> to vector<16xi32>
          %ne3A_312 = arith.cmpi ne, %bitcast3A_311, %gather3A_307 : vector<16xi32>
          tpu.vector_store_idx %arg7[%add3A_170], %bitcast3A_311 masked %ne3A_312 : memref<40960xi32, #tpu.memory_space<vmem>>[vector<16xi32>], vector<16xi32>, vector<16xi1>
          %all_reduce_population_count3A_313 = tpu.all_reduce %ne3A_312 {dim = 0 : i64, kind = #tpu.reduction_kind<sum>} : vector<16xi1> -> vector<16xi32>
          %slice3A_314 = vector.extract_strided_slice %all_reduce_population_count3A_313 {offsets = [0], sizes = [1], strides = [1]} : vector<16xi32> to vector<1xi32>
          %squeeze3A_315 = vector.extract %slice3A_314[0] : i32 from vector<1xi32>
          %gt3A_316 = arith.constant 0 : i32
          %gt3A_317 = arith.cmpi sgt, %squeeze3A_315, %gt3A_316 : i32
          %or3A_318 = arith.ori %or3A_306, %gt3A_317 : i1
          %gather3A_319 = tpu.vector_load_idx %arg7[%add3A_177] : memref<40960xi32, #tpu.memory_space<vmem>>[vector<16xi32>], vector<16xi32>,
          %bitcast3A_320 = vector.bitcast %bitcast3A_225 : vector<16xi32> to vector<32xi16>
          %bitcast3A_321 = vector.bitcast %gather3A_319 : vector<16xi32> to vector<32xi16>
          %max3A_322 = arith.maxsi %bitcast3A_320, %bitcast3A_321 : vector<32xi16>
          %bitcast3A_323 = vector.bitcast %max3A_322 : vector<32xi16> to vector<16xi32>
          %ne3A_324 = arith.cmpi ne, %bitcast3A_323, %gather3A_319 : vector<16xi32>
          tpu.vector_store_idx %arg7[%add3A_177], %bitcast3A_323 masked %ne3A_324 : memref<40960xi32, #tpu.memory_space<vmem>>[vector<16xi32>], vector<16xi32>, vector<16xi1>
          %all_reduce_population_count3A_325 = tpu.all_reduce %ne3A_324 {dim = 0 : i64, kind = #tpu.reduction_kind<sum>} : vector<16xi1> -> vector<16xi32>
          %slice3A_326 = vector.extract_strided_slice %all_reduce_population_count3A_325 {offsets = [0], sizes = [1], strides = [1]} : vector<16xi32> to vector<1xi32>
          %squeeze3A_327 = vector.extract %slice3A_326[0] : i32 from vector<1xi32>
          %gt3A_328 = arith.constant 0 : i32
          %gt3A_329 = arith.cmpi sgt, %squeeze3A_327, %gt3A_328 : i32
          %or3A_330 = arith.ori %or3A_318, %gt3A_329 : i1
          %gather3A_331 = tpu.vector_load_idx %arg7[%add3A_184] : memref<40960xi32, #tpu.memory_space<vmem>>[vector<16xi32>], vector<16xi32>,
          %bitcast3A_332 = vector.bitcast %bitcast3A_229 : vector<16xi32> to vector<32xi16>
          %bitcast3A_333 = vector.bitcast %gather3A_331 : vector<16xi32> to vector<32xi16>
          %max3A_334 = arith.maxsi %bitcast3A_332, %bitcast3A_333 : vector<32xi16>
          %bitcast3A_335 = vector.bitcast %max3A_334 : vector<32xi16> to vector<16xi32>
          %ne3A_336 = arith.cmpi ne, %bitcast3A_335, %gather3A_331 : vector<16xi32>
          tpu.vector_store_idx %arg7[%add3A_184], %bitcast3A_335 masked %ne3A_336 : memref<40960xi32, #tpu.memory_space<vmem>>[vector<16xi32>], vector<16xi32>, vector<16xi1>
          %all_reduce_population_count3A_337 = tpu.all_reduce %ne3A_336 {dim = 0 : i64, kind = #tpu.reduction_kind<sum>} : vector<16xi1> -> vector<16xi32>
          %slice3A_338 = vector.extract_strided_slice %all_reduce_population_count3A_337 {offsets = [0], sizes = [1], strides = [1]} : vector<16xi32> to vector<1xi32>
          %squeeze3A_339 = vector.extract %slice3A_338[0] : i32 from vector<1xi32>
          %gt3A_340 = arith.constant 0 : i32
          %gt3A_341 = arith.cmpi sgt, %squeeze3A_339, %gt3A_340 : i32
          %or3A_342 = arith.ori %or3A_330, %gt3A_341 : i1
          %gather3A_343 = tpu.vector_load_idx %arg7[%add3A_191] : memref<40960xi32, #tpu.memory_space<vmem>>[vector<16xi32>], vector<16xi32>,
          %bitcast3A_344 = vector.bitcast %bitcast3A_233 : vector<16xi32> to vector<32xi16>
          %bitcast3A_345 = vector.bitcast %gather3A_343 : vector<16xi32> to vector<32xi16>
          %max3A_346 = arith.maxsi %bitcast3A_344, %bitcast3A_345 : vector<32xi16>
          %bitcast3A_347 = vector.bitcast %max3A_346 : vector<32xi16> to vector<16xi32>
          %ne3A_348 = arith.cmpi ne, %bitcast3A_347, %gather3A_343 : vector<16xi32>
          tpu.vector_store_idx %arg7[%add3A_191], %bitcast3A_347 masked %ne3A_348 : memref<40960xi32, #tpu.memory_space<vmem>>[vector<16xi32>], vector<16xi32>, vector<16xi1>
          %all_reduce_population_count3A_349 = tpu.all_reduce %ne3A_348 {dim = 0 : i64, kind = #tpu.reduction_kind<sum>} : vector<16xi1> -> vector<16xi32>
          %slice3A_350 = vector.extract_strided_slice %all_reduce_population_count3A_349 {offsets = [0], sizes = [1], strides = [1]} : vector<16xi32> to vector<1xi32>
          %squeeze3A_351 = vector.extract %slice3A_350[0] : i32 from vector<1xi32>
          %gt3A_352 = arith.constant 0 : i32
          %gt3A_353 = arith.cmpi sgt, %squeeze3A_351, %gt3A_352 : i32
          %or3A_354 = arith.ori %or3A_342, %gt3A_353 : i1
          scf.yield %or3A_354 : i1
        }
        %scan3A_256 = arith.constant 0 : i32
        scf.yield %scan3A_256 : i32
      }
      %scan3A_104 = arith.constant 250 : i32
      %add3A_105 = arith.constant 2 : i32
      %add3A_106 = arith.addi %add3A_87, %add3A_105 : i32
      %rem3A_107 = arith.constant 20 : i32
      %rem3A_108 = arith.remsi %add3A_106, %rem3A_107 : i32
      %mul3A_109 = arith.constant 8000 : i32
      %mul3A_110 = arith.muli %rem3A_108, %mul3A_109 : i32
      %add3A_111 = arith.addi %mul3A_8, %mul3A_110 : i32
      %dma_start3A_112 = tpu.memref_slice %arg3[%add3A_111] : memref<320000xi32, #tpu.memory_space<hbm>> -> memref<8000xi32, #tpu.memory_space<hbm>>
      %dma_start3A_113 = tpu.memref_slice %arg3[%add3A_111] : memref<320000xi32, #tpu.memory_space<hbm>> -> memref<8000xi32, #tpu.memory_space<hbm>>
      tpu.enqueue_dma source(%dma_start3A_113 : memref<8000xi32, #tpu.memory_space<hbm>>) target(%arg9 : memref<8000xi32, #tpu.memory_space<vmem>>) target_semaphore(%arg13 : memref<!tpu.dma_semaphore, #tpu.memory_space<semaphore_mem>>)
      %mul3A_114 = arith.constant 8000 : i32
      %mul3A_115 = arith.muli %rem3A_108, %mul3A_114 : i32
      %add3A_116 = arith.addi %mul3A_8, %mul3A_115 : i32
      %dma_start3A_117 = tpu.memref_slice %arg4[%add3A_116] : memref<320000xi32, #tpu.memory_space<hbm>> -> memref<8000xi32, #tpu.memory_space<hbm>>
      %dma_start3A_118 = tpu.memref_slice %arg4[%add3A_116] : memref<320000xi32, #tpu.memory_space<hbm>> -> memref<8000xi32, #tpu.memory_space<hbm>>
      tpu.enqueue_dma source(%dma_start3A_118 : memref<8000xi32, #tpu.memory_space<hbm>>) target(%arg11 : memref<8000xi32, #tpu.memory_space<vmem>>) target_semaphore(%arg15 : memref<!tpu.dma_semaphore, #tpu.memory_space<semaphore_mem>>)
      %scan3A_119 = arith.constant 0 : i32
      scf.yield %scan3A_119 : i32
    }
    %scan3A_29 = arith.constant 10 : i32
    %add3A_30 = arith.constant 0 : i32
    %add3A_31 = arith.addi %mul3A_8, %add3A_30 : i32
    %dma_wait3A = tpu.memref_slice %arg3[%add3A_31] : memref<320000xi32, #tpu.memory_space<hbm>> -> memref<8000xi32, #tpu.memory_space<hbm>>
    %dma_wait3A_32 = tpu.memref_slice %arg3[%add3A_31] : memref<320000xi32, #tpu.memory_space<hbm>> -> memref<8000xi32, #tpu.memory_space<hbm>>
    tpu.wait_dma2 semaphore(%arg12 : memref<!tpu.dma_semaphore, #tpu.memory_space<semaphore_mem>>) src(%dma_wait3A_32 : memref<8000xi32, #tpu.memory_space<hbm>>) dst(%arg8 : memref<8000xi32, #tpu.memory_space<vmem>>)
    %add3A_33 = arith.constant 0 : i32
    %add3A_34 = arith.addi %mul3A_8, %add3A_33 : i32
    %dma_wait3A_35 = tpu.memref_slice %arg4[%add3A_34] : memref<320000xi32, #tpu.memory_space<hbm>> -> memref<8000xi32, #tpu.memory_space<hbm>>
    %dma_wait3A_36 = tpu.memref_slice %arg4[%add3A_34] : memref<320000xi32, #tpu.memory_space<hbm>> -> memref<8000xi32, #tpu.memory_space<hbm>>
    tpu.wait_dma2 semaphore(%arg14 : memref<!tpu.dma_semaphore, #tpu.memory_space<semaphore_mem>>) src(%dma_wait3A_36 : memref<8000xi32, #tpu.memory_space<hbm>>) dst(%arg10 : memref<8000xi32, #tpu.memory_space<vmem>>)
    %add3A_37 = arith.constant 8000 : i32
    %add3A_38 = arith.addi %mul3A_8, %add3A_37 : i32
    %dma_wait3A_39 = tpu.memref_slice %arg3[%add3A_38] : memref<320000xi32, #tpu.memory_space<hbm>> -> memref<8000xi32, #tpu.memory_space<hbm>>
    %dma_wait3A_40 = tpu.memref_slice %arg3[%add3A_38] : memref<320000xi32, #tpu.memory_space<hbm>> -> memref<8000xi32, #tpu.memory_space<hbm>>
    tpu.wait_dma2 semaphore(%arg13 : memref<!tpu.dma_semaphore, #tpu.memory_space<semaphore_mem>>) src(%dma_wait3A_40 : memref<8000xi32, #tpu.memory_space<hbm>>) dst(%arg9 : memref<8000xi32, #tpu.memory_space<vmem>>)
    %add3A_41 = arith.constant 8000 : i32
    %add3A_42 = arith.addi %mul3A_8, %add3A_41 : i32
    %dma_wait3A_43 = tpu.memref_slice %arg4[%add3A_42] : memref<320000xi32, #tpu.memory_space<hbm>> -> memref<8000xi32, #tpu.memory_space<hbm>>
    %dma_wait3A_44 = tpu.memref_slice %arg4[%add3A_42] : memref<320000xi32, #tpu.memory_space<hbm>> -> memref<8000xi32, #tpu.memory_space<hbm>>
    tpu.wait_dma2 semaphore(%arg15 : memref<!tpu.dma_semaphore, #tpu.memory_space<semaphore_mem>>) src(%dma_wait3A_44 : memref<8000xi32, #tpu.memory_space<hbm>>) dst(%arg11 : memref<8000xi32, #tpu.memory_space<vmem>>)
    %mul3A_45 = arith.constant 655360 : i32
    %mul3A_46 = arith.muli %arg0, %mul3A_45 : i32
    %add3A_47 = arith.addi %mul3A_46, %mul3A_0 : i32
    "tpu.region"() ({
      %run_scoped3A = tpu.sem_alloc : memref<!tpu.dma_semaphore, #tpu.memory_space<semaphore_mem>>
      %dma_start3A_48 = tpu.memref_slice %arg5[%add3A_47] : memref<1310720xi32, #tpu.memory_space<hbm>> -> memref<40960xi32, #tpu.memory_space<hbm>>
      %dma_start3A_49 = tpu.memref_slice %arg5[%add3A_47] : memref<1310720xi32, #tpu.memory_space<hbm>> -> memref<40960xi32, #tpu.memory_space<hbm>>
      tpu.enqueue_dma source(%arg7 : memref<40960xi32, #tpu.memory_space<vmem>>) target(%dma_start3A_49 : memref<40960xi32, #tpu.memory_space<hbm>>) target_semaphore(%run_scoped3A : memref<!tpu.dma_semaphore, #tpu.memory_space<semaphore_mem>>)
      %dma_wait3A_50 = tpu.memref_slice %arg5[%add3A_47] : memref<1310720xi32, #tpu.memory_space<hbm>> -> memref<40960xi32, #tpu.memory_space<hbm>>
      %dma_wait3A_51 = tpu.memref_slice %arg5[%add3A_47] : memref<1310720xi32, #tpu.memory_space<hbm>> -> memref<40960xi32, #tpu.memory_space<hbm>>
      tpu.wait_dma2 semaphore(%run_scoped3A : memref<!tpu.dma_semaphore, #tpu.memory_space<semaphore_mem>>) src(%arg7 : memref<40960xi32, #tpu.memory_space<vmem>>) dst(%dma_wait3A_51 : memref<40960xi32, #tpu.memory_space<hbm>>)
      tpu.yield
    }) : () -> ()
    return
  }
}

module attributes {stable_mosaic.version = 14 : i64} {
  func.func @_tc_node_body(%arg0: i32, %arg1: memref<512x128xf32, #tpu.memory_space<vmem>>, %arg2: memref<2x512xf32, #tpu.memory_space<vmem>>, %arg3: memref<128x128xf32, #tpu.memory_space<vmem>>, %arg4: memref<128x3xf32, #tpu.memory_space<vmem>>, %arg5: memref<128x1xf32, #tpu.memory_space<vmem>>, %arg6: memref<64x512xi32, #tpu.memory_space<vmem>>, %arg7: memref<128x512xf32, #tpu.memory_space<vmem>>, %arg8: memref<3x512xf32, #tpu.memory_space<vmem>>) attributes {dimension_semantics = [#tpu.dimension_semantics<arbitrary>], iteration_bounds = array<i64: 20>, scalar_prefetch = 0 : i64, scratch_operands = 0 : i64, tpu.core_type = #tpu.core_type<tc>, window_params = [{transform_indices = @transform_0, window_bounds = array<i64: 512, 128>}, {transform_indices = @transform_1, window_bounds = array<i64: 2, 512>}, {pipeline_mode = #tpu.pipeline_mode<synchronous>, transform_indices = @transform_2, window_bounds = array<i64: 128, 128>}, {pipeline_mode = #tpu.pipeline_mode<synchronous>, transform_indices = @transform_3, window_bounds = array<i64: 128, 3>}, {pipeline_mode = #tpu.pipeline_mode<synchronous>, transform_indices = @transform_4, window_bounds = array<i64: 128, 1>}, {transform_indices = @transform_5, window_bounds = array<i64: 64, 512>}, {transform_indices = @transform_6, window_bounds = array<i64: 128, 512>}, {transform_indices = @transform_7, window_bounds = array<i64: 3, 512>}]} {
    %get3A = arith.constant 0 : index
    %get3A_0 = arith.constant 0 : index
    %get3A_1 = vector.load %arg2[%get3A, %get3A_0] : memref<2x512xf32, #tpu.memory_space<vmem>>, vector<1x512xf32>
    %get3A_2 = arith.constant 1 : index
    %get3A_3 = arith.constant 0 : index
    %get3A_4 = vector.load %arg2[%get3A_2, %get3A_3] : memref<2x512xf32, #tpu.memory_space<vmem>>, vector<1x512xf32>
    %cos3A = math.cos %get3A_4 : vector<1x512xf32>
    %sin3A = math.sin %get3A_4 : vector<1x512xf32>
    %concatenate3A = tpu.concatenate %cos3A, %sin3A, %get3A_1 in 0 : vector<1x512xf32>, vector<1x512xf32>, vector<1x512xf32> -> vector<3x512xf32>
    %swap3A = arith.constant 0 : index
    %swap3A_5 = arith.constant 0 : index
    %swap3A_6 = vector.load %arg8[%swap3A, %swap3A_5] : memref<3x512xf32, #tpu.memory_space<vmem>>, vector<3x512xf32>
    tpu.vector_store %arg8[%swap3A, %swap3A_5], %concatenate3A {strides = array<i32>} : memref<3x512xf32, #tpu.memory_space<vmem>>, vector<3x512xf32>,
    %get3A_7 = arith.constant 0 : index
    %get3A_8 = arith.constant 0 : index
    %get3A_9 = vector.load %arg4[%get3A_7, %get3A_8] : memref<128x3xf32, #tpu.memory_space<vmem>>, vector<128x3xf32>
    %slice3A = vector.extract_strided_slice %get3A_9 {offsets = [0, 0], sizes = [128, 1], strides = [1, 1]} : vector<128x3xf32> to vector<128x1xf32>
    %mul3A = vector.broadcast %slice3A : vector<128x1xf32> to vector<128x512xf32>
    %mul3A_10 = vector.broadcast %cos3A : vector<1x512xf32> to vector<128x512xf32>
    %mul3A_11 = arith.mulf %mul3A, %mul3A_10 : vector<128x512xf32>
    %slice3A_12 = vector.extract_strided_slice %get3A_9 {offsets = [0, 1], sizes = [128, 1], strides = [1, 1]} : vector<128x3xf32> to vector<128x1xf32>
    %mul3A_13 = vector.broadcast %slice3A_12 : vector<128x1xf32> to vector<128x512xf32>
    %mul3A_14 = vector.broadcast %sin3A : vector<1x512xf32> to vector<128x512xf32>
    %mul3A_15 = arith.mulf %mul3A_13, %mul3A_14 : vector<128x512xf32>
    %add3A = arith.addf %mul3A_11, %mul3A_15 : vector<128x512xf32>
    %slice3A_16 = vector.extract_strided_slice %get3A_9 {offsets = [0, 2], sizes = [128, 1], strides = [1, 1]} : vector<128x3xf32> to vector<128x1xf32>
    %mul3A_17 = vector.broadcast %slice3A_16 : vector<128x1xf32> to vector<128x512xf32>
    %mul3A_18 = vector.broadcast %get3A_1 : vector<1x512xf32> to vector<128x512xf32>
    %mul3A_19 = arith.mulf %mul3A_17, %mul3A_18 : vector<128x512xf32>
    %add3A_20 = arith.addf %add3A, %mul3A_19 : vector<128x512xf32>
    %swap3A_21 = arith.constant 0 : index
    %swap3A_22 = arith.constant 0 : index
    %swap3A_23 = vector.load %arg7[%swap3A_21, %swap3A_22] : memref<128x512xf32, #tpu.memory_space<vmem>>, vector<128x512xf32>
    tpu.vector_store %arg7[%swap3A_21, %swap3A_22], %add3A_20 {strides = array<i32>} : memref<128x512xf32, #tpu.memory_space<vmem>>, vector<128x512xf32>,
    %get3A_24 = arith.constant 0 : index
    %get3A_25 = arith.constant 0 : index
    %get3A_26 = vector.load %arg3[%get3A_24, %get3A_25] : memref<128x128xf32, #tpu.memory_space<vmem>>, vector<128x128xf32>
    %get3A_27 = arith.constant 0 : index
    %get3A_28 = arith.constant 0 : index
    %get3A_29 = vector.load %arg1[%get3A_27, %get3A_28] : memref<512x128xf32, #tpu.memory_space<vmem>>, vector<512x128xf32>
    %dot_general3A = arith.constant dense<0.000000e+00> : vector<128x512xf32>
    %dot_general3A_30 = tpu.matmul %get3A_26, %get3A_29, %dot_general3A {dimension_numbers = #tpu.dot_dimension_numbers<[1], [1], [0], [0], [0, 0, 1, 0], [], []>, transpose_lhs_hint = false} : vector<128x128xf32>, vector<512x128xf32>, vector<128x512xf32> -> vector<128x512xf32>
    %add3A_31 = arith.addf %dot_general3A_30, %add3A_20 : vector<128x512xf32>
    %get3A_32 = arith.constant 0 : index
    %get3A_33 = arith.constant 0 : index
    %get3A_34 = vector.load %arg5[%get3A_32, %get3A_33] : memref<128x1xf32, #tpu.memory_space<vmem>>, vector<128x1xf32>
    %add3A_35 = vector.broadcast %get3A_34 : vector<128x1xf32> to vector<128x512xf32>
    %add3A_36 = arith.addf %add3A_31, %add3A_35 : vector<128x512xf32>
    %slice3A_37 = vector.extract_strided_slice %add3A_36 {offsets = [0, 0], sizes = [64, 512], strides = [1, 1]} : vector<128x512xf32> to vector<64x512xf32>
    %convert_element_type3A = arith.truncf %slice3A_37 : vector<64x512xf32> to vector<64x512xbf16>
    %bitcast_convert_type3A = tpu.bitcast %convert_element_type3A : vector<64x512xbf16> -> vector<64x512xi16>
    %slice3A_38 = vector.extract_strided_slice %add3A_36 {offsets = [64, 0], sizes = [64, 512], strides = [1, 1]} : vector<128x512xf32> to vector<64x512xf32>
    %convert_element_type3A_39 = arith.truncf %slice3A_38 : vector<64x512xf32> to vector<64x512xbf16>
    %bitcast_convert_type3A_40 = tpu.bitcast %convert_element_type3A_39 : vector<64x512xbf16> -> vector<64x512xi16>
    %convert_element_type3A_41 = arith.extui %bitcast_convert_type3A : vector<64x512xi16> to vector<64x512xi32>
    %convert_element_type3A_42 = arith.extui %bitcast_convert_type3A_40 : vector<64x512xi16> to vector<64x512xi32>
    %shift_left3A = arith.constant 16 : i32
    %shift_left3A_43 = vector.broadcast %shift_left3A : i32 to vector<64x512xi32>
    %shift_left3A_44 = arith.shli %convert_element_type3A_42, %shift_left3A_43 : vector<64x512xi32>
    %or3A = arith.ori %convert_element_type3A_41, %shift_left3A_44 : vector<64x512xi32>
    %bitcast_convert_type3A_45 = tpu.bitcast %or3A : vector<64x512xi32> -> vector<64x512xi32>
    %swap3A_46 = arith.constant 0 : index
    %swap3A_47 = arith.constant 0 : index
    %swap3A_48 = vector.load %arg6[%swap3A_46, %swap3A_47] : memref<64x512xi32, #tpu.memory_space<vmem>>, vector<64x512xi32>
    tpu.vector_store %arg6[%swap3A_46, %swap3A_47], %bitcast_convert_type3A_45 {strides = array<i32>} : memref<64x512xi32, #tpu.memory_space<vmem>>, vector<64x512xi32>,
    return
  }
  func.func @transform_0(%arg0: i32) -> (i32, i32) {
    %c0_i32 = arith.constant 0 : i32
    %c0_i32_0 = arith.constant 0 : i32
    return %arg0, %c0_i32 : i32, i32
  }
  func.func @transform_1(%arg0: i32) -> (i32, i32) {
    %c0_i32 = arith.constant 0 : i32
    %c0_i32_0 = arith.constant 0 : i32
    return %c0_i32, %arg0 : i32, i32
  }
  func.func @transform_2(%arg0: i32) -> (i32, i32) {
    %c0_i32 = arith.constant 0 : i32
    %c0_i32_0 = arith.constant 0 : i32
    %c0_i32_1 = arith.constant 0 : i32
    return %c0_i32, %c0_i32_0 : i32, i32
  }
  func.func @transform_3(%arg0: i32) -> (i32, i32) {
    %c0_i32 = arith.constant 0 : i32
    %c0_i32_0 = arith.constant 0 : i32
    %c0_i32_1 = arith.constant 0 : i32
    return %c0_i32, %c0_i32_0 : i32, i32
  }
  func.func @transform_4(%arg0: i32) -> (i32, i32) {
    %c0_i32 = arith.constant 0 : i32
    %c0_i32_0 = arith.constant 0 : i32
    %c0_i32_1 = arith.constant 0 : i32
    return %c0_i32, %c0_i32_0 : i32, i32
  }
  func.func @transform_5(%arg0: i32) -> (i32, i32) {
    %c0_i32 = arith.constant 0 : i32
    %c0_i32_0 = arith.constant 0 : i32
    return %c0_i32, %arg0 : i32, i32
  }
  func.func @transform_6(%arg0: i32) -> (i32, i32) {
    %c0_i32 = arith.constant 0 : i32
    %c0_i32_0 = arith.constant 0 : i32
    return %c0_i32, %arg0 : i32, i32
  }
  func.func @transform_7(%arg0: i32) -> (i32, i32) {
    %c0_i32 = arith.constant 0 : i32
    %c0_i32_0 = arith.constant 0 : i32
    return %c0_i32, %arg0 : i32, i32
  }
}

</mosaic_0001>

<sc_bundles>
// kernel: kernel.5.cloned.1.call-start
scs
__scs_entry_jumppad:
0x0: {  	(pc) =	sbr.rel $0x88, $3  }
0x1: {  	(tag) =	ssettag $0x0;
	lr =	simm.s32 $0x1  }
0x2: {  	[smem:$0x3F9B] =	sst lr;
	_ =	strace $0xD0000000  }
0x3: {  	_ = 	snop  }
0x4: {  	_ = 	snop  }
0x5: {  	_ = 	snop  }
0x6: {  	_ = 	snop  }
0x7: {  	_ = 	snop  }
__scs_overlays_trampoline_lowered:
0x8: {  	[smem:$0x3FAA] =	sst s0  }
0x9: {  	[smem:$0x3FAB] =	sst s1  }
0xa: {  	[smem:$0x3FAC] =	sst s2  }
0xb: {  	[smem:$0x3FAD] =	sst s3  }
0xc: {  	[smem:$0x3FAE] =	sst s4  }
0xd: {  	[smem:$0x3FAF] =	sst s5  }
0xe: {  	[smem:$0x3FB0] =	sst s6  }
0xf: {  	[smem:$0x3FB1] =	sst s7  }
0x10: {  	[smem:$0x3FB2] =	sst s8  }
0x11: {  	[smem:$0x3FB3] =	sst s9;
	s0 =	simm.s32 @!p0 $0x0  }
0x12: {  	s1 =	sld [smem:$0x3F99];
	s0 =	simm.s32 @p0 $0x1  }
0x13: {  	[smem:$0x3FB4] =	sst s0;
	s0 =	simm.s32 @!p1 $0x0  }
0x14: {  	s2 =	sld [smem:$0x3F98];
	s0 =	simm.s32 @p1 $0x1  }
0x15: {  	[smem:$0x3FB5] =	sst s0;
	s0 =	simm.s32 @!p2 $0x0  }
0x16: {  	s3 =	sld [smem:$0x3FDB];
	s0 =	simm.s32 @p2 $0x1  }
0x17: {  	s4 =	simm.s32 $0x1BF5;
	[smem:$0x3FB7] =	sst s0  }
0x18: {  	s0 =	sld [smem:$0x3F9A];
	_ =	swait.ge [sflag:s4], $0x0  }
0x19: {  	s7 =	sld [smem:$0x3F9B]  }
0x1a: {  	s8 =	sadd.s32 $0xFFFFE003, lr  }
0x1b: {  	s9 =	sadd.s32 $0xFFFFFEF7, lr;
	s5 =	simm.s32 $0xFFFFFFFF;
	p2 =	slt.u32 s8, $0xFFFFF086  }
0x1c: {  	p1 =	slt.u32 s9, $0xF7A;
	s5 =	simm.s32 @!p2 $0x0  }
0x1d: {  	s5 =	simm.s32 @p1 $0x1;
	p0 =	seq.s32 s7, s2  }
0x1e: {  	s7 =	smul.u32 @!p0 $0xF7A, s2;
	p2 =	seq.s32 @!p0 s5, $0x0  }
0x1f: {  	s9 =	smul.u32 $0xF7A, s1;
	s8 =	simm.s32 @!p0 $0x1BF5;
	p2 =	por !p2, p0  }
0x20: {  	[sflag:s8] =	ssyncset.s32 @!p0 $0xFFFFF086;
	s6 =	sadd.s32 @!p0 s3, s7;
	s7 =	simm.s32 @!p0 $0x108  }
0x21: {  	s3 =	sadd.s32 s3, s9;
	s6 =	sadd.s32 @!p0 $0x88, s6;
	s7 =	simm.s32 @p2 $0x1082  }
0x22: {  	[simem:s7], [sflag:s8] =	dma.local @!p0 [hbm:s6], $0xF7A  }
0x23: {  	s9 =	sor.u32 $0xD0000000, s2;
	s6 =	simm.s32 $0x108;
	_ =	swait.ge @!p0 [sflag:s8], $0x0  }
0x24: {  	s3 =	sadd.s32 $0x88, s3;
	s6 =	simm.s32 @!p1 $0x1082;
	[sflag:s4] =	ssyncset.s32 $0xFFFFF086  }
0x25: {  	[simem:s6], [sflag:s4] =	dma.local [hbm:s3], $0xF7A  }
0x26: {  	[smem:$0x3F9B] =	sst s1;
	(tag) =	ssettag s2;
	_ =	strace s9  }
0x27: {  	s1 =	sld [smem:$0x3FAB]  }
0x28: {  	s2 =	sld [smem:$0x3FAC]  }
0x29: {  	s4 =	sld [smem:$0x3FAE]  }
0x2a: {  	p0 =	seq.s32 s5, $0x0;
	s5 =	sld [smem:$0x3FAF]  }
0x2b: {  	s6 =	sld [smem:$0x3FB0]  }
0x2c: {  	s7 =	sld [smem:$0x3FB1]  }
0x2d: {  	s3 =	simm.s32 $0x108;
	s8 =	sld [smem:$0x3FB2]  }
0x2e: {  	s3 =	simm.s32 @!p0 $0x1082;
	s9 =	sld [smem:$0x3FB3]  }
0x2f: {  	lr =	sadd.s32 s0, s3;
	s0 =	sld [smem:$0x3FAA]  }
0x30: {  	s3 =	sld [smem:$0x3FAD]  }
0x31: {  	[smem:$0x3FB6] =	sst s10  }
0x32: {  	s10 =	sld [smem:$0x3FB4];
	_ =	sdelay $0x3  }
0x33: {  	p0 =	seq.s32 s10, $0x1;
	s10 =	sld [smem:$0x3FB6];
	_ =	sdelay $0x3  }
0x34: {  	[smem:$0x3FB6] =	sst s10  }
0x35: {  	s10 =	sld [smem:$0x3FB5];
	_ =	sdelay $0x3  }
0x36: {  	p1 =	seq.s32 s10, $0x1;
	s10 =	sld [smem:$0x3FB6];
	_ =	sdelay $0x3  }
0x37: {  	[smem:$0x3FB6] =	sst s10  }
0x38: {  	s10 =	sld [smem:$0x3FB7]  }
0x39: {  	_ = 	snop;
	(pc) =	sbr.ind lr, $3  }
0x3a: {  	_ = 	snop  }
0x3b: {  	_ = 	snop  }
0x3c: {  	p2 =	seq.s32 s10, $0x1;
	s10 =	sld [smem:$0x3FB6]  }
0x3d: {  	_ =	shalt  }
0x3e: {  	_ =	shalt  }
0x3f: {  	_ =	shalt  }
0x40: {  	_ =	shalt  }
0x41: {  	_ =	shalt  }
0x42: {  	_ =	shalt  }
0x43: {  	_ =	shalt  }
0x44: {  	_ =	shalt  }
0x45: {  	_ =	shalt  }
0x46: {  	_ =	shalt  }
0x47: {  	_ =	shalt  }
0x48: {  	_ =	shalt  }
0x49: {  	_ =	shalt  }
0x4a: {  	_ =	shalt  }
0x4b: {  	_ =	shalt  }
0x4c: {  	_ =	shalt  }
0x4d: {  	_ =	shalt  }
0x4e: {  	_ =	shalt  }
0x4f: {  	_ =	shalt  }
0x50: {  	_ =	shalt  }
0x51: {  	_ =	shalt  }
0x52: {  	_ =	shalt  }
0x53: {  	_ =	shalt  }
0x54: {  	_ =	shalt  }
0x55: {  	_ =	shalt  }
0x56: {  	_ =	shalt  }
0x57: {  	_ =	shalt  }
0x58: {  	_ =	shalt  }
0x59: {  	_ =	shalt  }
0x5a: {  	_ =	shalt  }
0x5b: {  	_ =	shalt  }
0x5c: {  	_ =	shalt  }
0x5d: {  	_ =	shalt  }
0x5e: {  	_ =	shalt  }
0x5f: {  	_ =	shalt  }
0x60: {  	_ =	shalt  }
0x61: {  	_ =	shalt  }
0x62: {  	_ =	shalt  }
0x63: {  	_ =	shalt  }
0x64: {  	_ =	shalt  }
0x65: {  	_ =	shalt  }
0x66: {  	_ =	shalt  }
0x67: {  	_ =	shalt  }
0x68: {  	_ =	shalt  }
0x69: {  	_ =	shalt  }
0x6a: {  	_ =	shalt  }
0x6b: {  	_ =	shalt  }
0x6c: {  	_ =	shalt  }
0x6d: {  	_ =	shalt  }
0x6e: {  	_ =	shalt  }
0x6f: {  	_ =	shalt  }
0x70: {  	_ =	shalt  }
0x71: {  	_ =	shalt  }
0x72: {  	_ =	shalt  }
0x73: {  	_ =	shalt  }
0x74: {  	_ =	shalt  }
0x75: {  	_ =	shalt  }
0x76: {  	_ =	shalt  }
0x77: {  	_ =	shalt  }
0x78: {  	_ =	shalt  }
0x79: {  	_ =	shalt  }
0x7a: {  	_ =	shalt  }
0x7b: {  	_ =	shalt  }
0x7c: {  	_ =	shalt  }
0x7d: {  	_ =	shalt  }
0x7e: {  	_ =	shalt  }
0x7f: {  	_ =	shalt  }
0x80: {  	_ =	shalt  }
0x81: {  	_ =	shalt  }
0x82: {  	_ =	shalt  }
0x83: {  	_ =	shalt  }
0x84: {  	_ =	shalt  }
0x85: {  	_ =	shalt  }
0x86: {  	_ =	shalt  }
0x87: {  	_ =	shalt  }
.Lfunc_end0:
.L_simem_size_0:
called_computation_lowered:
.L_overlay_start_0:
0x88: {  	s2 =	sld [smem:$0x3FD9]  }
0x89: {  	s3 =	sld [smem:$0x3FFE];
	_ =	sdelay $0x1  }
0x8a: {  	s1 =	srdreg.scid  }
0x8b: {  	s0 =	sand.u32 $0x1, s1  }
0x8c: {  	s14 =	sshll.u32 s0, $0xA;
	s2 =	sadd.s32 s3, s2  }
0x8d: {  	s2 =	sadd.s32 s2, s14  }
0x8e: {  	[smem:$0x3FC2] =	sst s2  }
0x8f: {  	_ = 	snop  }
0x90: {  	s2 =	sld [smem:$0x3FD0];
	_ =	sdelay $0x2  }
0x91: {  	s15 =	simm.s32 $0xA;
	s4 =	simm.s32 $0x10  }
0x92: {  	[smem:s4], [sflag:s15] =	dma.local [hbm:s2], $0x1  }
0x93: {  	_ =	swait.eq [sflag:s15], $0x1  }
0x94: {  	[sflag:s15] =	ssyncset.done $0x0  }
0x95: {  	[sflag:s15] =	ssyncadd.s32 $0xFFFFFFFF  }
0x96: {  	s16 =	sld [smem:$0x10];
	(tm) =	ssettm $0x1  }
0x97: {  	s17 =	sld [smem:$0x3FFB];
	_ =	sdelay $0x3  }
0x98: {  	_ =	strace s17  }
0x99: {  	s3 =	sld [smem:$0x3FFC];
	_ =	sdelay $0x3  }
0x9a: {  	_ =	strace s3  }
0x9b: {  	s3 =	sld [smem:$0x3FFD];
	_ =	sdelay $0x3  }
0x9c: {  	_ =	strace s3  }
0x9d: {  	_ =	strace $0x8FFFFFFF  }
0x9e: {  	s18 =	sld [smem:$0x3FDB];
	_ =	sdelay $0x1  }
0x9f: {  	s19 =	simm.s32 $_scs_section_size  }
0xa0: {  	s5 =	simm.s32 $_size__tile_overlayer_lowered;
	s6 =	simm.s32 $_tile_overlayer_lowered  }
0xa1: {  	s22 =	simm.s32 $0x1BFF;
	s21 =	sshll.u32 s6, $0x1;
	s3 =	sadd.s32 s19, s18  }
0xa2: {  	s7 =	simm.s32 $0x0;
	s20 =	sshll.u32 s5, $0x1;
	s5 =	sadd.s32 s21, s3  }
0xa3: {  	[timem:s7], [sflag:s22] =	dma.local [hbm:s5], s20  }
0xa4: {  	_ =	swait.ge [sflag:s22], s20  }
0xa5: {  	s4 =	ssub.s32 $0x0, s20;
	[sflag:s22] =	ssyncset.done $0x0  }
0xa6: {  	[sflag:s22] =	ssyncadd.s32 s4;
	_ =	sdelay $0x1  }
0xa7: {  	s23 =	simm.s32 $0x1B8B  }
0xa8: {  	_ =	swait.ge [sflag:s23], $0x1  }
0xa9: {  	[sflag:s23] =	ssyncset.done $0x0  }
0xaa: {  	s25 =	simm.s32 $0x1B8E;
	s24 =	sld [smem:$0x3FFE];
	[sflag:s23] =	ssyncadd.s32 $0xFFFFFFFF  }
0xab: {  	s26 =	simm.s32 $execute0_lowered;
	[smem:$0x3FD2] =	sst s25  }
0xac: {  	s5 =	sshll.u32 s26, $0x1;
	_ =	strace $0x80000046;
	[dreg:$0x1] =	wrdreg $0xFFFFFFFF  }
0xad: {  	s28 =	simm.s32 $_size_execute0_lowered;
	s3 =	sadd.s32 s3, s5;
	[dreg:$0x0] =	wrdreg $0x0  }
0xae: {  	s5 =	sshll.u32 s28, $0x1;
	[dreg:$0x2] =	wrdreg s3  }
0xaf: {  	[dreg:$0x3] =	wrdreg s5  }
0xb0: {  	[dreg:$0x4] =	wrdreg $0xC0  }
0xb1: {  	_ =	task [dreg:s7], $0x5FFFF  }
0xb2: {  	[dreg:$0x1] =	wrdreg $0xFFFFFFFF  }
0xb3: {  	[dreg:$0x0] =	wrdreg $0x60  }
0xb4: {  	[dreg:$0x2] =	wrdreg s16  }
0xb5: {  	[dreg:$0x3] =	wrdreg s24  }
0xb6: {  	[dreg:$0x4] =	wrdreg $0x9  }
0xb7: {  	_ =	task.clear_ibuf [dreg:s7], $0x5FFFF;
	_ =	strace $0x90000046  }
0xb8: {  	s29 =	simm.s32 $0x9;
	_ =	strace $0x80000048  }
0xb9: {  	_ =	swait.ge [sflag:s29], $0x1  }
0xba: {  	[sflag:s29] =	ssyncadd.s32 $0xFFFFFFFF  }
0xbb: {  	_ =	strace $0x90000048  }
0xbc: {  	_ =	sfence  }
0xbd: {  	s30 =	sld [smem:$0x0];
	_ =	sdelay $0x2  }
0xbe: {  	s31 =	sshll.u32 s1, $0xD;
	s1 =	sshrl.u32 s1, $0x2  }
0xbf: {  	s3 =	sand.u32 $0x4000, s31;
	s1 =	sadd.s32 s1, s30  }
0xc0: {  	s0 =	sor.u32 s3, s0;
	s1 =	sshll.u32 s1, $0x11  }
0xc1: {  	s0 =	sor.u32 s1, s0  }
0xc2: {  	s0 =	sadd.s32 $0x8F2B, s0  }
0xc3: {  	[sflag:s0] =	ssyncadd.remote.s32 $0x1  }
0xc4: {  	_ =	sfence.sel $0xFFFF  }
0xc5: {  	[dreg:$0x0] =	wrdreg $0xFFFFFFFF;
	(pc) =	sbr.abs _section_cstart, $3  }
0xc6: {  	[dreg:$0x1] =	wrdreg $0xFFFFFFFF  }
0xc7: {  	_ =	task.clear_ibuf [dreg:s7], $0x2FFFF;
	_ =	strace $0x9FFFFFFF  }
0xc8: {  	(tm) =	ssettm $0x7FFFFFFF  }
0xc9: {  	_ =	shalt  }
tec
execute0_lowered:
.L_overlay_start_1:
0x0: {  	(tag) =	ssettag $0x1  }
0x1: {  	s6 =	rddreg [dreg:$0x0]  }
0x2: {  	s7 =	rddreg [dreg:$0x1]  }
0x3: {  	s0 =	rddreg [dreg:$0x2]  }
0x4: {  	s3 =	srdreg.scid;
	s1 =	stileid.u32;
	s2 =	simm.s32 $0x0  }
0x5: {  	s13 =	simm.s32 $0x5;
	s14 =	simm.s32 $0x14000;
	s15 =	simm.s32 $0x17F00  }
0x6: {  	s16 =	simm.s32 $0x15F80;
	s17 =	simm.s32 $0x19E80;
	s18 =	simm.s32 $0x1  }
0x7: {  	s19 =	simm.s32 $0x3;
	s20 =	simm.s32 $0xA000;
	s21 =	simm.s32 $0x2  }
0x8: {  	s22 =	simm.s32 $0x4;
	s23 =	simm.s32 $0x0;
	s5 =	sand.u32 $0x1, s3  }
0x9: {  	s8 =	smul.u32 $0xA000, s1;
	[smem:$0x7FF] =	sst s2;
	s3 =	sadd.s32 $0xAC00, s7  }
0xa: {  	s4 =	sadd.s32 $0xE00, s7;
	s9 =	smul.u32 $0xA0000, s5;
	s10 =	ssub.s32 $0x2, s5  }
0xb: {  	_ =	strace $0x80000047;
	s5 =	smul.u32 $0x27100, s5;
	s29 =	sshrl.u32 s10, $0x1  }
.Ltmp0:
0xc: {  	s9 =	sadd.s32 s8, s9;
	s8 =	sshrl.u32 s8, $0x3;
	(pc) =	sbr.rel .LBB2_1-.Ltmp0, $4  }
0xd: {  	s12 =	ssub.s32 s10, s29;
	s30 =	sshrl.u32 s5, $0x3;
	s9 =	sshrl.u32 s9, $0x3  }
0xe: {  	s6 =	sadd.s32 s6, s8;
	s8 =	sadd.s32 s4, s30;
	s31 =	sadd.s32 $0x3E8, s30  }
0xf: {  	s12 =	smax.u32 s12, $0x1;
	s11 =	sadd.s32 s9, s7;
	s7 =	sadd.s32 s3, s30  }
0x10: {  	s9 =	sadd.s32 s3, s31;
	s10 =	sadd.s32 s4, s31;
	s11 =	sadd.s32 $0x14A00, s11  }
.LBB2_13:
0x11: {  	_ =	swait.ge [sflag:s18], $0x1F40  }
0x12: {  	[sflag:s18] =	ssyncset.done $0x0  }
0x13: {  	[sflag:s18] =	ssyncadd.s32 $0xFFFFE0C0  }
0x14: {  	_ =	swait.ge [sflag:s19], $0x1F40  }
0x15: {  	[sflag:s19] =	ssyncset.done $0x0  }
0x16: {  	[sflag:s19] =	ssyncadd.s32 $0xFFFFE0C0  }
0x17: {  	_ =	swait.ge [sflag:s21], $0x1F40  }
0x18: {  	[sflag:s21] =	ssyncset.done $0x0  }
0x19: {  	[sflag:s21] =	ssyncadd.s32 $0xFFFFE0C0  }
0x1a: {  	s23 =	sadd.s32 $0x1, s23;
	_ =	swait.ge [sflag:s22], $0x1F40  }
0x1b: {  	p0 =	sne.s32 s23, s12;
	[sflag:s22] =	ssyncset.done $0x0  }
.Ltmp1:
0x1c: {  	[sflag:s22] =	ssyncadd.s32 $0xFFFFE0C0;
	(pc) =	sbr.rel @!p0 .LBB2_14-.Ltmp1, $4  }
0x1d: {  	[hbm4b:s11+s2] =	stream.linear.scatter [tilespmem:s20], [sflag:$0x5], $0xA000, $0x38;
	[tilespmem:$0x1BE00] =	vst v63  }
0x1e: {  	_ =	swait.ge [sflag:s13], $0xA000  }
0x1f: {  	[sflag:s13] =	ssyncset.done $0x0  }
0x20: {  	[sflag:s13] =	ssyncadd.s32 $0xFFFF6000  }
.LBB2_1:
0x21: {  	[tilespmem:s2], [sflag:$0x5] =	stream.linear.gather [hbm4b:s6+s2], $0xA000, $0x38;
	[tilespmem:$0x1BE00] =	vst v63  }
0x22: {  	_ =	swait.ge [sflag:s13], $0xA000  }
0x23: {  	[sflag:s13] =	ssyncset.done $0x0  }
0x24: {  	s24 =	simm.s32 $0x0;
	[sflag:s13] =	ssyncadd.s32 $0xFFFF6000  }
0x25: {  	v0 =	vld [tilespmem:s24+$0x0];
	_ =	sdelay $0x4  }
0x26: {  	vm0 =	vlt.s16 v0, $0x0;
	v1 =	vxor.u32 $0x7FFF7FFF, v0  }
0x27: {  	v0 =	vsel vm0, v1, v0  }
0x28: {  	s26 =	simm.s32 $0x10;
	s25 =	simm.s32 $0x80;
	[tilespmem:s24+$0x0] =	vst v0  }
.LBB2_2:
0x29: {  	p0 =	sne.s32 s25, $0x27FC0;
	v1 =	vld [tilespmem:s26+$0x0];
	[tilespmem:s24+$0xA000] =	vst v0;
	s24 =	smov.u32 s26;
	_ =	sdelay $0x2  }
.Ltmp2:
0x2a: {  	(pc) =	sbr.rel @p0 .LBB2_2-.Ltmp2, $4  }
0x2b: {  	_ = 	snop  }
0x2c: {  	vm0 =	vlt.s16 v1, $0x0;
	v0 =	vxor.u32 $0x7FFF7FFF, v1  }
0x2d: {  	v0 =	vsel vm0, v0, v1  }
0x2e: {  	s26 =	sshra.s32 s25, $0x2;
	s25 =	sadd.s32 $0x40, s25;
	[tilespmem:s24+$0x0] =	vst v0  }
0x2f: {  	v1 =	vld [tilespmem:s26+$0x0];
	_ =	sdelay $0x4  }
0x30: {  	vm0 =	vlt.s16 v1, $0x0;
	v2 =	vxor.u32 $0x7FFF7FFF, v1  }
0x31: {  	[tilespmem:s24+$0xA000] =	vst v0;
	v63 =	vsel vm0, v2, v1  }
0x32: {  	[tilespmem:s26+$0x0] =	vst v63  }
0x33: {  	s24 =	simm.s32 $0x0;
	[tilespmem:s26+$0xA000] =	vst v63  }
0x34: {  	[tilespmem:s14], [sflag:$0x1] =	stream.linear.gather [hbm4b:s7+s24], $0x1F40, $0x38;
	[tilespmem:$0x1BE00] =	vst v63  }
0x35: {  	_ = 	snop  }
0x36: {  	[tilespmem:s15], [sflag:$0x3] =	stream.linear.gather [hbm4b:s8+s24], $0x1F40, $0x38;
	[tilespmem:$0x1BE00] =	vst v63  }
.Ltmp3:
0x37: {  	_ = 	snop;
	(pc) =	sbr.rel .LBB2_4-.Ltmp3, $4  }
0x38: {  	_ = 	snop  }
0x39: {  	[tilespmem:s16], [sflag:$0x2] =	stream.linear.gather [hbm4b:s9+s24], $0x1F40, $0x38;
	[tilespmem:$0x1BE00] =	vst v63  }
0x3a: {  	_ = 	snop  }
0x3b: {  	[tilespmem:s17], [sflag:$0x4] =	stream.linear.gather [hbm4b:s10+s24], $0x1F40, $0x38;
	[tilespmem:$0x1BE00] =	vst v63  }
.LBB2_12:
0x3c: {  	s25 =	sadd.s32 $0x3, s25  }
0x3d: {  	s26 =	smulhi.u32 $0x66666667, s25;
	_ =	sdelay $0x1  }
0x3e: {  	s26 =	sshrl.u32 s26, $0x3  }
0x3f: {  	s26 =	smul.u32 $0x14, s26;
	_ =	sdelay $0x1  }
0x40: {  	s25 =	ssub.s32 s25, s26  }
0x41: {  	s25 =	smul.u32 $0x1F40, s25  }
0x42: {  	s24 =	sadd.s32 $0x1, s24  }
0x43: {  	p0 =	sne.s32 s24, $0xA;
	s25 =	sadd.s32 s5, s25  }
.Ltmp4:
0x44: {  	s25 =	sshrl.u32 s25, $0x3;
	(pc) =	sbr.rel @!p0 .LBB2_13-.Ltmp4, $4  }
0x45: {  	s31 =	sadd.s32 s3, s25  }
0x46: {  	[tilespmem:s16], [sflag:$0x2] =	stream.linear.gather [hbm4b:s31+s2], $0x1F40, $0x38;
	[tilespmem:$0x1BE00] =	vst v63  }
0x47: {  	s25 =	sadd.s32 s4, s25  }
0x48: {  	[tilespmem:s17], [sflag:$0x4] =	stream.linear.gather [hbm4b:s25+s2], $0x1F40, $0x38;
	[tilespmem:$0x1BE00] =	vst v63  }
.LBB2_4:
0x49: {  	_ =	swait.ge [sflag:s18], $0x1F40  }
.Ltmp5:
0x4a: {  	[sflag:s18] =	ssyncset.done $0x0;
	(pc) =	sbr.rel .LBB2_5-.Ltmp5, $4  }
0x4b: {  	[sflag:s18] =	ssyncadd.s32 $0xFFFFE0C0  }
0x4c: {  	_ =	swait.ge [sflag:s19], $0x1F40  }
0x4d: {  	[sflag:s19] =	ssyncset.done $0x0  }
0x4e: {  	s25 =	simm.s32 $0x0;
	[sflag:s19] =	ssyncadd.s32 $0xFFFFE0C0  }
.LBB2_7:
0x4f: {  	s25 =	sadd.s32 $0x1, s25  }
0x50: {  	p0 =	sne.s32 s25, $0xFA  }
.Ltmp6:
0x51: {  	_ = 	snop;
	(pc) =	sbr.rel @!p0 .LBB2_8-.Ltmp6, $1  }
0x52: {  	_ =	sdelay $0x3  }
.LBB2_5:
0x53: {  	s26 =	sshll.u32 s25, $0x5  }
0x54: {  	v1 =	vld [tilespmem:s26+$0x14000];
	_ =	sdelay $0x2  }
0x55: {  	v3 =	vld [tilespmem:s26+$0x14010];
	_ =	sdelay $0x1  }
0x56: {  	v4 =	vadd.s32 $0x5000, v1  }
0x57: {  	v0 =	vld [tilespmem:s26+$0x17F00]  }
0x58: {  	v5 =	vadd.s32 $0x7800, v1  }
0x59: {  	v2 =	vadd.s32 $0x2800, v1;
	v8 =	vld.idx.msk [tilespmem:v1+s2+$0x0], $0xffff  }
0x5a: {  	v1 =	vld [tilespmem:s26+$0x17F10]  }
0x5b: {  	v10 =	vld.idx.msk [tilespmem:v4+s2+$0x0], $0xffff;
	v4 =	vadd.s32 $0x5000, v3  }
0x5c: {  	v6 =	vadd.s32 $0x2800, v3;
	v12 =	vld.idx.msk [tilespmem:v3+s2+$0x0], $0xffff  }
0x5d: {  	v11 =	vld.idx.msk [tilespmem:v5+s2+$0x0], $0xffff;
	v5 =	vadd.s32 $0x7800, v3  }
0x5e: {  	v9 =	vld.idx.msk [tilespmem:v2+s2+$0x0], $0xffff;
	v2 =	vadd.s32 $0x2800, v0  }
0x5f: {  	v16 =	vld.idx.msk [tilespmem:v0+s20+$0x0], $0xffff;
	v3 =	vadd.s32 $0x5000, v0  }
0x60: {  	v14 =	vld.idx.msk [tilespmem:v4+s2+$0x0], $0xffff;
	v4 =	vadd.s32 $0x7800, v0  }
0x61: {  	v13 =	vld.idx.msk [tilespmem:v6+s2+$0x0], $0xffff  }
0x62: {  	v15 =	vld.idx.msk [tilespmem:v5+s2+$0x0], $0xffff;
	v5 =	vadd.s32 $0x2800, v1  }
0x63: {  	v6 =	vadd.s32 $0x5000, v1;
	v17 =	vld.idx.msk [tilespmem:v2+s20+$0x0], $0xffff  }
0x64: {  	v7 =	vadd.s32 $0x7800, v1;
	v18 =	vld.idx.msk [tilespmem:v3+s20+$0x0], $0xffff  }
0x65: {  	v19 =	vld.idx.msk [tilespmem:v4+s20+$0x0], $0xffff  }
0x66: {  	v20 =	vld.idx.msk [tilespmem:v1+s20+$0x0], $0xffff  }
0x67: {  	vm0 =	vgt.s16 v8, v16;
	v21 =	vld.idx.msk [tilespmem:v5+s20+$0x0], $0xffff  }
0x68: {  	v8 =	vsel vm0, v8, v16;
	v22 =	vld.idx.msk [tilespmem:v6+s20+$0x0], $0xffff;
	vm14 =	vgt.s16 v9, v17  }
0x69: {  	v23 =	vld.idx.msk [tilespmem:v7+s20+$0x0], $0xffff;
	vm15 =	vgt.s16 v10, v18;
	[tilespmem:v0+s20+$0x0] =	vst.idx.msk $0xffff, v8;
	v9 =	vsel vm14, v9, v17  }
0x6a: {  	v10 =	vsel vm15, v10, v18;
	[tilespmem:v2+s20+$0x0] =	vst.idx.msk $0xffff, v9;
	vm4 =	vgt.s16 v11, v19  }
0x6b: {  	vm5 =	vgt.s16 v12, v20;
	[tilespmem:v3+s20+$0x0] =	vst.idx.msk $0xffff, v10;
	v11 =	vsel vm4, v11, v19  }
0x6c: {  	v12 =	vsel vm5, v12, v20;
	vm6 =	vgt.s16 v13, v21;
	[tilespmem:v4+s20+$0x0] =	vst.idx.msk $0xffff, v11  }
0x6d: {  	vm7 =	vgt.s16 v14, v22;
	v13 =	vsel vm6, v13, v21;
	[tilespmem:v1+s20+$0x0] =	vst.idx.msk $0xffff, v12  }
0x6e: {  	vm8 =	vgt.s16 v15, v23;
	v14 =	vsel vm7, v14, v22;
	[tilespmem:v5+s20+$0x0] =	vst.idx.msk $0xffff, v13  }
0x6f: {  	v15 =	vsel vm8, v15, v23;
	[tilespmem:v6+s20+$0x0] =	vst.idx.msk $0xffff, v14  }
0x70: {  	[tilespmem:v7+s20+$0x0] =	vst.idx.msk $0xffff, v15  }
0x71: {  	v16 =	vld.idx.msk [tilespmem:v0+s20+$0x0], $0xffff  }
0x72: {  	v17 =	vld.idx.msk [tilespmem:v2+s20+$0x0], $0xffff  }
0x73: {  	v60 =	vld.idx.msk [tilespmem:v3+s20+$0x0], $0xffff  }
0x74: {  	v61 =	vld.idx.msk [tilespmem:v4+s20+$0x0], $0xffff  }
0x75: {  	v62 =	vld.idx.msk [tilespmem:v1+s20+$0x0], $0xffff  }
0x76: {  	v63 =	vld.idx.msk [tilespmem:v5+s20+$0x0], $0xffff  }
0x77: {  	vm9 =	vne.s32 v16, v8;
	vm1 =	vne.s32 v17, v9;
	v16 =	vld.idx.msk [tilespmem:v6+s20+$0x0], $0xffff  }
0x78: {  	vm10 =	vne.s32 v60, v10;
	v17 =	vld.idx.msk [tilespmem:v7+s20+$0x0], $0xffff;
	vm0 =	vmor vm9, vm1  }
0x79: {  	vm11 =	vne.s32 v61, v11;
	vm0 =	vmor vm0, vm10  }
0x7a: {  	vm12 =	vne.s32 v62, v12;
	vm0 =	vmor vm0, vm11  }
0x7b: {  	vm13 =	vne.s32 v63, v13;
	vm0 =	vmor vm0, vm12  }
0x7c: {  	vm0 =	vmor vm0, vm13;
	vm14 =	vne.s32 v16, v14  }
0x7d: {  	vm15 =	vne.s32 v17, v15;
	vm0 =	vmor vm0, vm14  }
0x7e: {  	vm0 =	vmor vm0, vm15  }
0x7f: {  	v16 =	vmpcnt.ones.xlane vm0;
	_ =	sdelay $0x1  }
0x80: {  	(v2sf) =	vpush v16, $0x0;
	_ =	sdelay $0xe  }
0x81: {  	s31 =	spop (v2sf)  }
0x82: {  	p0 =	slt.s32 s31, $0x1  }
.Ltmp7:
0x83: {  	_ = 	snop;
	(pc) =	sbr.rel @p0 .LBB2_7-.Ltmp7, $1  }
0x84: {  	_ =	sdelay $0x3  }
.LBB2_6:
0x85: {  	v16 =	vld.idx.msk [tilespmem:v0+s20+$0x0], $0xffff;
	_ =	sdelay $0x4  }
0x86: {  	vm0 =	vgt.s16 v8, v16  }
0x87: {  	v17 =	vsel vm0, v8, v16  }
0x88: {  	vm0 =	vne.s32 v16, v17;
	_ =	sdelay $0x5  }
0x89: {  	[tilespmem:v0+s20+$0x0] =	vst.idx.msk vm0, v17  }
0x8a: {  	v16 =	vld.idx.msk [tilespmem:v2+s20+$0x0], $0xffff;
	_ =	sdelay $0x4  }
0x8b: {  	vm1 =	vgt.s16 v9, v16  }
0x8c: {  	v17 =	vsel vm1, v9, v16  }
0x8d: {  	vm1 =	vne.s32 v16, v17;
	_ =	sdelay $0x5  }
0x8e: {  	[tilespmem:v2+s20+$0x0] =	vst.idx.msk vm1, v17  }
0x8f: {  	v16 =	vld.idx.msk [tilespmem:v3+s20+$0x0], $0xffff;
	_ =	sdelay $0x4  }
0x90: {  	vm2 =	vgt.s16 v10, v16  }
0x91: {  	v17 =	vsel vm2, v10, v16  }
0x92: {  	vm2 =	vne.s32 v16, v17;
	_ =	sdelay $0x5  }
0x93: {  	[tilespmem:v3+s20+$0x0] =	vst.idx.msk vm2, v17  }
0x94: {  	v16 =	vld.idx.msk [tilespmem:v4+s20+$0x0], $0xffff;
	_ =	sdelay $0x4  }
0x95: {  	vm3 =	vgt.s16 v11, v16  }
0x96: {  	v17 =	vsel vm3, v11, v16  }
0x97: {  	vm3 =	vne.s32 v16, v17;
	_ =	sdelay $0x5  }
0x98: {  	[tilespmem:v4+s20+$0x0] =	vst.idx.msk vm3, v17  }
0x99: {  	v16 =	vld.idx.msk [tilespmem:v1+s20+$0x0], $0xffff;
	_ =	sdelay $0x4  }
0x9a: {  	vm4 =	vgt.s16 v12, v16  }
0x9b: {  	v17 =	vsel vm4, v12, v16  }
0x9c: {  	vm4 =	vne.s32 v16, v17;
	_ =	sdelay $0x5  }
0x9d: {  	[tilespmem:v1+s20+$0x0] =	vst.idx.msk vm4, v17  }
0x9e: {  	v16 =	vld.idx.msk [tilespmem:v5+s20+$0x0], $0xffff;
	_ =	sdelay $0x4  }
0x9f: {  	vm5 =	vgt.s16 v13, v16  }
0xa0: {  	v17 =	vsel vm5, v13, v16  }
0xa1: {  	vm5 =	vne.s32 v16, v17;
	_ =	sdelay $0x5  }
0xa2: {  	[tilespmem:v5+s20+$0x0] =	vst.idx.msk vm5, v17  }
0xa3: {  	v16 =	vld.idx.msk [tilespmem:v6+s20+$0x0], $0xffff;
	_ =	sdelay $0x4  }
0xa4: {  	vm6 =	vgt.s16 v14, v16  }
0xa5: {  	v17 =	vsel vm6, v14, v16  }
0xa6: {  	vm6 =	vne.s32 v16, v17;
	_ =	sdelay $0x1  }
0xa7: {  	v16 =	vmpcnt.ones.xlane vm0  }
0xa8: {  	v18 =	vmpcnt.ones.xlane vm1  }
0xa9: {  	(v2sf) =	vpush v16, $0x0  }
0xaa: {  	v16 =	vmpcnt.ones.xlane vm2;
	(v2sf) =	vpush v18, $0x0  }
0xab: {  	[tilespmem:v6+s20+$0x0] =	vst.idx.msk vm6, v17  }
0xac: {  	(v2sf) =	vpush v16, $0x0;
	v17 =	vmpcnt.ones.xlane vm3;
	v16 =	vld.idx.msk [tilespmem:v7+s20+$0x0], $0xffff;
	_ =	sdelay $0x1  }
0xad: {  	v62 =	vmpcnt.ones.xlane vm4;
	(v2sf) =	vpush v17, $0x0;
	_ =	sdelay $0x1  }
0xae: {  	v17 =	vmpcnt.ones.xlane vm5;
	(v2sf) =	vpush v62, $0x0  }
0xaf: {  	vm15 =	vgt.s16 v15, v16  }
0xb0: {  	v63 =	vmpcnt.ones.xlane vm6;
	(v2sf) =	vpush v17, $0x0;
	v17 =	vsel vm15, v15, v16  }
0xb1: {  	vm0 =	vne.s32 v16, v17  }
0xb2: {  	(v2sf) =	vpush v63, $0x0;
	v16 =	vmpcnt.ones.xlane vm0;
	_ =	sdelay $0x1  }
0xb3: {  	(v2sf) =	vpush v16, $0x0;
	_ =	sdelay $0x1  }
0xb4: {  	s26 =	spop (v2sf)  }
0xb5: {  	s28 =	spop (v2sf);
	p0 =	sgt.s32 s26, $0x0  }
0xb6: {  	p1 =	sgt.s32 @!p0 s28, $0x0  }
0xb7: {  	s26 =	spop (v2sf);
	p0 =	por p0, p1  }
0xb8: {  	p1 =	sgt.s32 @!p0 s26, $0x0  }
0xb9: {  	p0 =	por p0, p1;
	s26 =	spop (v2sf)  }
0xba: {  	p1 =	sgt.s32 @!p0 s26, $0x0  }
0xbb: {  	s26 =	spop (v2sf);
	p0 =	por p0, p1  }
0xbc: {  	p1 =	sgt.s32 @!p0 s26, $0x0  }
0xbd: {  	s26 =	spop (v2sf);
	p0 =	por p0, p1  }
0xbe: {  	p1 =	sgt.s32 @!p0 s26, $0x0  }
0xbf: {  	s26 =	spop (v2sf);
	p0 =	por p0, p1  }
0xc0: {  	p1 =	sgt.s32 @!p0 s26, $0x0  }
0xc1: {  	p0 =	por p0, p1;
	s26 =	spop (v2sf)  }
0xc2: {  	p1 =	sgt.s32 @!p0 s26, $0x0  }
0xc3: {  	p0 =	por p0, p1  }
.Ltmp8:
0xc4: {  	_ = 	snop;
	(pc) =	sbr.rel @p0 .LBB2_6-.Ltmp8, $2  }
0xc5: {  	_ =	sdelay $0x2  }
0xc6: {  	[tilespmem:v7+s20+$0x0] =	vst.idx.msk vm0, v17  }
.Ltmp9:
0xc7: {  	_ = 	snop;
	(pc) =	sbr.rel .LBB2_7-.Ltmp9, $1  }
0xc8: {  	_ =	sdelay $0x3  }
.LBB2_8:
0xc9: {  	s25 =	sshll.u32 s24, $0x1  }
0xca: {  	s26 =	sadd.s32 $0x2, s25  }
0xcb: {  	s28 =	smul.u32 $0x1F40, s26  }
0xcc: {  	p0 =	seq.s32 s26, $0x14  }
0xcd: {  	s28 =	simm.s32 @p0 $0x0  }
0xce: {  	s31 =	sadd.s32 s5, s28  }
0xcf: {  	s28 =	sshrl.u32 s31, $0x3  }
0xd0: {  	s26 =	simm.s32 $0x0;
	s29 =	sadd.s32 s3, s28  }
0xd1: {  	[tilespmem:s14], [sflag:$0x1] =	stream.linear.gather [hbm4b:s29+s26], $0x1F40, $0x38;
	[tilespmem:$0x1BE00] =	vst v63  }
0xd2: {  	s28 =	sadd.s32 s4, s28  }
0xd3: {  	[tilespmem:s15], [sflag:$0x3] =	stream.linear.gather [hbm4b:s28+s26], $0x1F40, $0x38;
	[tilespmem:$0x1BE00] =	vst v63  }
0xd4: {  	_ =	swait.ge [sflag:s21], $0x1F40  }
.Ltmp10:
0xd5: {  	[sflag:s21] =	ssyncset.done $0x0;
	(pc) =	sbr.rel .LBB2_9-.Ltmp10, $4  }
0xd6: {  	[sflag:s21] =	ssyncadd.s32 $0xFFFFE0C0  }
0xd7: {  	_ =	swait.ge [sflag:s22], $0x1F40  }
0xd8: {  	[sflag:s22] =	ssyncset.done $0x0  }
0xd9: {  	[sflag:s22] =	ssyncadd.s32 $0xFFFFE0C0  }
.LBB2_11:
0xda: {  	s26 =	sadd.s32 $0x1, s26  }
0xdb: {  	p0 =	sne.s32 s26, $0xFA  }
.Ltmp11:
0xdc: {  	_ = 	snop;
	(pc) =	sbr.rel @!p0 .LBB2_12-.Ltmp11, $1  }
0xdd: {  	_ =	sdelay $0x3  }
.LBB2_9:
0xde: {  	s28 =	sshll.u32 s26, $0x5  }
0xdf: {  	v1 =	vld [tilespmem:s28+$0x15F80];
	_ =	sdelay $0x2  }
0xe0: {  	v3 =	vld [tilespmem:s28+$0x15F90];
	_ =	sdelay $0x1  }
0xe1: {  	v4 =	vadd.s32 $0x5000, v1  }
0xe2: {  	v0 =	vld [tilespmem:s28+$0x19E80]  }
0xe3: {  	v5 =	vadd.s32 $0x7800, v1  }
0xe4: {  	v2 =	vadd.s32 $0x2800, v1;
	v8 =	vld.idx.msk [tilespmem:v1+s2+$0x0], $0xffff  }
0xe5: {  	v1 =	vld [tilespmem:s28+$0x19E90]  }
0xe6: {  	v10 =	vld.idx.msk [tilespmem:v4+s2+$0x0], $0xffff;
	v4 =	vadd.s32 $0x5000, v3  }
0xe7: {  	v6 =	vadd.s32 $0x2800, v3;
	v12 =	vld.idx.msk [tilespmem:v3+s2+$0x0], $0xffff  }
0xe8: {  	v11 =	vld.idx.msk [tilespmem:v5+s2+$0x0], $0xffff;
	v5 =	vadd.s32 $0x7800, v3  }
0xe9: {  	v9 =	vld.idx.msk [tilespmem:v2+s2+$0x0], $0xffff;
	v2 =	vadd.s32 $0x2800, v0  }
0xea: {  	v16 =	vld.idx.msk [tilespmem:v0+s20+$0x0], $0xffff;
	v3 =	vadd.s32 $0x5000, v0  }
0xeb: {  	v14 =	vld.idx.msk [tilespmem:v4+s2+$0x0], $0xffff;
	v4 =	vadd.s32 $0x7800, v0  }
0xec: {  	v13 =	vld.idx.msk [tilespmem:v6+s2+$0x0], $0xffff  }
0xed: {  	v15 =	vld.idx.msk [tilespmem:v5+s2+$0x0], $0xffff;
	v5 =	vadd.s32 $0x2800, v1  }
0xee: {  	v6 =	vadd.s32 $0x5000, v1;
	v17 =	vld.idx.msk [tilespmem:v2+s20+$0x0], $0xffff  }
0xef: {  	v7 =	vadd.s32 $0x7800, v1;
	v18 =	vld.idx.msk [tilespmem:v3+s20+$0x0], $0xffff  }
0xf0: {  	v19 =	vld.idx.msk [tilespmem:v4+s20+$0x0], $0xffff  }
0xf1: {  	v20 =	vld.idx.msk [tilespmem:v1+s20+$0x0], $0xffff  }
0xf2: {  	vm0 =	vgt.s16 v8, v16;
	v21 =	vld.idx.msk [tilespmem:v5+s20+$0x0], $0xffff  }
0xf3: {  	v8 =	vsel vm0, v8, v16;
	v22 =	vld.idx.msk [tilespmem:v6+s20+$0x0], $0xffff;
	vm14 =	vgt.s16 v9, v17  }
0xf4: {  	v23 =	vld.idx.msk [tilespmem:v7+s20+$0x0], $0xffff;
	vm15 =	vgt.s16 v10, v18;
	[tilespmem:v0+s20+$0x0] =	vst.idx.msk $0xffff, v8;
	v9 =	vsel vm14, v9, v17  }
0xf5: {  	v10 =	vsel vm15, v10, v18;
	[tilespmem:v2+s20+$0x0] =	vst.idx.msk $0xffff, v9;
	vm4 =	vgt.s16 v11, v19  }
0xf6: {  	vm5 =	vgt.s16 v12, v20;
	[tilespmem:v3+s20+$0x0] =	vst.idx.msk $0xffff, v10;
	v11 =	vsel vm4, v11, v19  }
0xf7: {  	v12 =	vsel vm5, v12, v20;
	vm6 =	vgt.s16 v13, v21;
	[tilespmem:v4+s20+$0x0] =	vst.idx.msk $0xffff, v11  }
0xf8: {  	vm7 =	vgt.s16 v14, v22;
	v13 =	vsel vm6, v13, v21;
	[tilespmem:v1+s20+$0x0] =	vst.idx.msk $0xffff, v12  }
0xf9: {  	vm8 =	vgt.s16 v15, v23;
	v14 =	vsel vm7, v14, v22;
	[tilespmem:v5+s20+$0x0] =	vst.idx.msk $0xffff, v13  }
0xfa: {  	v15 =	vsel vm8, v15, v23;
	[tilespmem:v6+s20+$0x0] =	vst.idx.msk $0xffff, v14  }
0xfb: {  	[tilespmem:v7+s20+$0x0] =	vst.idx.msk $0xffff, v15  }
0xfc: {  	v16 =	vld.idx.msk [tilespmem:v0+s20+$0x0], $0xffff  }
0xfd: {  	v17 =	vld.idx.msk [tilespmem:v2+s20+$0x0], $0xffff  }
0xfe: {  	v60 =	vld.idx.msk [tilespmem:v3+s20+$0x0], $0xffff  }
0xff: {  	v61 =	vld.idx.msk [tilespmem:v4+s20+$0x0], $0xffff  }
0x100: {  	v62 =	vld.idx.msk [tilespmem:v1+s20+$0x0], $0xffff  }
0x101: {  	v63 =	vld.idx.msk [tilespmem:v5+s20+$0x0], $0xffff  }
0x102: {  	vm9 =	vne.s32 v16, v8;
	vm1 =	vne.s32 v17, v9;
	v16 =	vld.idx.msk [tilespmem:v6+s20+$0x0], $0xffff  }
0x103: {  	vm10 =	vne.s32 v60, v10;
	v17 =	vld.idx.msk [tilespmem:v7+s20+$0x0], $0xffff;
	vm0 =	vmor vm9, vm1  }
0x104: {  	vm11 =	vne.s32 v61, v11;
	vm0 =	vmor vm0, vm10  }
0x105: {  	vm12 =	vne.s32 v62, v12;
	vm0 =	vmor vm0, vm11  }
0x106: {  	vm13 =	vne.s32 v63, v13;
	vm0 =	vmor vm0, vm12  }
0x107: {  	vm0 =	vmor vm0, vm13;
	vm14 =	vne.s32 v16, v14  }
0x108: {  	vm15 =	vne.s32 v17, v15;
	vm0 =	vmor vm0, vm14  }
0x109: {  	vm0 =	vmor vm0, vm15  }
0x10a: {  	v16 =	vmpcnt.ones.xlane vm0;
	_ =	sdelay $0x1  }
0x10b: {  	(v2sf) =	vpush v16, $0x0;
	_ =	sdelay $0xe  }
0x10c: {  	s31 =	spop (v2sf)  }
0x10d: {  	p0 =	slt.s32 s31, $0x1  }
.Ltmp12:
0x10e: {  	_ = 	snop;
	(pc) =	sbr.rel @p0 .LBB2_11-.Ltmp12, $1  }
0x10f: {  	_ =	sdelay $0x3  }
.LBB2_10:
0x110: {  	v16 =	vld.idx.msk [tilespmem:v0+s20+$0x0], $0xffff;
	_ =	sdelay $0x4  }
0x111: {  	vm0 =	vgt.s16 v8, v16  }
0x112: {  	v17 =	vsel vm0, v8, v16  }
0x113: {  	vm0 =	vne.s32 v16, v17;
	_ =	sdelay $0x5  }
0x114: {  	[tilespmem:v0+s20+$0x0] =	vst.idx.msk vm0, v17  }
0x115: {  	v16 =	vld.idx.msk [tilespmem:v2+s20+$0x0], $0xffff;
	_ =	sdelay $0x4  }
0x116: {  	vm1 =	vgt.s16 v9, v16  }
0x117: {  	v17 =	vsel vm1, v9, v16  }
0x118: {  	vm1 =	vne.s32 v16, v17;
	_ =	sdelay $0x5  }
0x119: {  	[tilespmem:v2+s20+$0x0] =	vst.idx.msk vm1, v17  }
0x11a: {  	v16 =	vld.idx.msk [tilespmem:v3+s20+$0x0], $0xffff;
	_ =	sdelay $0x4  }
0x11b: {  	vm2 =	vgt.s16 v10, v16  }
0x11c: {  	v17 =	vsel vm2, v10, v16  }
0x11d: {  	vm2 =	vne.s32 v16, v17;
	_ =	sdelay $0x5  }
0x11e: {  	[tilespmem:v3+s20+$0x0] =	vst.idx.msk vm2, v17  }
0x11f: {  	v16 =	vld.idx.msk [tilespmem:v4+s20+$0x0], $0xffff;
	_ =	sdelay $0x4  }
0x120: {  	vm3 =	vgt.s16 v11, v16  }
0x121: {  	v17 =	vsel vm3, v11, v16  }
0x122: {  	vm3 =	vne.s32 v16, v17;
	_ =	sdelay $0x5  }
0x123: {  	[tilespmem:v4+s20+$0x0] =	vst.idx.msk vm3, v17  }
0x124: {  	v16 =	vld.idx.msk [tilespmem:v1+s20+$0x0], $0xffff;
	_ =	sdelay $0x4  }
0x125: {  	vm4 =	vgt.s16 v12, v16  }
0x126: {  	v17 =	vsel vm4, v12, v16  }
0x127: {  	vm4 =	vne.s32 v16, v17;
	_ =	sdelay $0x5  }
0x128: {  	[tilespmem:v1+s20+$0x0] =	vst.idx.msk vm4, v17  }
0x129: {  	v16 =	vld.idx.msk [tilespmem:v5+s20+$0x0], $0xffff;
	_ =	sdelay $0x4  }
0x12a: {  	vm5 =	vgt.s16 v13, v16  }
0x12b: {  	v17 =	vsel vm5, v13, v16  }
0x12c: {  	vm5 =	vne.s32 v16, v17;
	_ =	sdelay $0x5  }
0x12d: {  	[tilespmem:v5+s20+$0x0] =	vst.idx.msk vm5, v17  }
0x12e: {  	v16 =	vld.idx.msk [tilespmem:v6+s20+$0x0], $0xffff;
	_ =	sdelay $0x4  }
0x12f: {  	vm6 =	vgt.s16 v14, v16  }
0x130: {  	v17 =	vsel vm6, v14, v16  }
0x131: {  	vm6 =	vne.s32 v16, v17;
	_ =	sdelay $0x1  }
0x132: {  	v16 =	vmpcnt.ones.xlane vm0  }
0x133: {  	v18 =	vmpcnt.ones.xlane vm1  }
0x134: {  	(v2sf) =	vpush v16, $0x0  }
0x135: {  	v16 =	vmpcnt.ones.xlane vm2;
	(v2sf) =	vpush v18, $0x0  }
0x136: {  	[tilespmem:v6+s20+$0x0] =	vst.idx.msk vm6, v17  }
0x137: {  	(v2sf) =	vpush v16, $0x0;
	v17 =	vmpcnt.ones.xlane vm3;
	v16 =	vld.idx.msk [tilespmem:v7+s20+$0x0], $0xffff;
	_ =	sdelay $0x1  }
0x138: {  	v62 =	vmpcnt.ones.xlane vm4;
	(v2sf) =	vpush v17, $0x0;
	_ =	sdelay $0x1  }
0x139: {  	v17 =	vmpcnt.ones.xlane vm5;
	(v2sf) =	vpush v62, $0x0  }
0x13a: {  	vm15 =	vgt.s16 v15, v16  }
0x13b: {  	v63 =	vmpcnt.ones.xlane vm6;
	(v2sf) =	vpush v17, $0x0;
	v17 =	vsel vm15, v15, v16  }
0x13c: {  	vm0 =	vne.s32 v16, v17  }
0x13d: {  	(v2sf) =	vpush v63, $0x0;
	v16 =	vmpcnt.ones.xlane vm0;
	_ =	sdelay $0x1  }
0x13e: {  	(v2sf) =	vpush v16, $0x0;
	_ =	sdelay $0x1  }
0x13f: {  	s28 =	spop (v2sf)  }
0x140: {  	s29 =	spop (v2sf);
	p0 =	sgt.s32 s28, $0x0  }
0x141: {  	p1 =	sgt.s32 @!p0 s29, $0x0  }
0x142: {  	s28 =	spop (v2sf);
	p0 =	por p0, p1  }
0x143: {  	p1 =	sgt.s32 @!p0 s28, $0x0  }
0x144: {  	p0 =	por p0, p1;
	s28 =	spop (v2sf)  }
0x145: {  	p1 =	sgt.s32 @!p0 s28, $0x0  }
0x146: {  	s28 =	spop (v2sf);
	p0 =	por p0, p1  }
0x147: {  	p1 =	sgt.s32 @!p0 s28, $0x0  }
0x148: {  	s28 =	spop (v2sf);
	p0 =	por p0, p1  }
0x149: {  	p1 =	sgt.s32 @!p0 s28, $0x0  }
0x14a: {  	s28 =	spop (v2sf);
	p0 =	por p0, p1  }
0x14b: {  	p1 =	sgt.s32 @!p0 s28, $0x0  }
0x14c: {  	p0 =	por p0, p1;
	s28 =	spop (v2sf)  }
0x14d: {  	p1 =	sgt.s32 @!p0 s28, $0x0  }
0x14e: {  	p0 =	por p0, p1  }
.Ltmp13:
0x14f: {  	_ = 	snop;
	(pc) =	sbr.rel @p0 .LBB2_10-.Ltmp13, $2  }
0x150: {  	_ =	sdelay $0x2  }
0x151: {  	[tilespmem:v7+s20+$0x0] =	vst.idx.msk vm0, v17  }
.Ltmp14:
0x152: {  	_ = 	snop;
	(pc) =	sbr.rel .LBB2_11-.Ltmp14, $1  }
0x153: {  	_ =	sdelay $0x3  }
.LBB2_14:
0x154: {  	_ =	sfence.sel $0x180000  }
0x155: {  	[bflag:$0x0] =	sbarrier.arrive $0xFFFF  }
0x156: {  	p0 =	sne.s32 s1, $0x0;
	_ =	strace $0x90000047  }
0x157: {  	s0 =	sadd.s32 @!p0 $0x100000, s0;
	[bflag:$0x2] =	sbarrier.arrive $0xFFFF  }
0x158: {  	[sflag:s0] =	ssyncadd.tile.s32 @!p0 $0x1;
	_ =	shalt  }
.Lfunc_end2:
_tile_overlayer_lowered:
.L_overlay_start_2:
0x159: {  	(tag) =	ssettag $0x2  }
0x15a: {  	s0 =	rddreg [dreg:$0x0];
	s2 =	stileid.u32  }
0x15b: {  	s1 =	rddreg [dreg:$0x1];
	p0 =	sne.s32 s2, $0x0  }
0x15c: {  	s3 =	rddreg [dreg:$0x2];
	[bflag:$0x3] =	sbarrier.arrive $0xFFFF;
	s2 =	simm.s32 @!p0 $0x1C05  }
0x15d: {  	[timem:s3], [sflag:s2] =	dma.local @!p0 [hbm:s0], s1  }
0x15e: {  	s0 =	simm.s32 @!p0 $0x5  }
0x15f: {  	_ =	swait.ge @!p0 [sflag:s0], s1  }
0x160: {  	s1 =	ssub.s32 @!p0 $0x0, s1;
	[sflag:s0] =	ssyncset.done @!p0 $0x0  }
0x161: {  	[sflag:s0] =	ssyncadd.s32 @!p0 s1  }
0x162: {  	[bflag:$0x3] =	sbarrier.arrive $0xFFFF  }
0x163: {  	_ =	shalt  }

// kernel: kernel.8.cloned.1.call-start
scs
__scs_entry_jumppad:
0x0: {  	(pc) =	sbr.rel $0x88, $3  }
0x1: {  	(tag) =	ssettag $0x0;
	lr =	simm.s32 $0x1  }
0x2: {  	[smem:$0x3F9B] =	sst lr;
	_ =	strace $0xD0000000  }
0x3: {  	_ = 	snop  }
0x4: {  	_ = 	snop  }
0x5: {  	_ = 	snop  }
0x6: {  	_ = 	snop  }
0x7: {  	_ = 	snop  }
__scs_overlays_trampoline_lowered:
0x8: {  	[smem:$0x3FAA] =	sst s0  }
0x9: {  	[smem:$0x3FAB] =	sst s1  }
0xa: {  	[smem:$0x3FAC] =	sst s2  }
0xb: {  	[smem:$0x3FAD] =	sst s3  }
0xc: {  	[smem:$0x3FAE] =	sst s4  }
0xd: {  	[smem:$0x3FAF] =	sst s5  }
0xe: {  	[smem:$0x3FB0] =	sst s6  }
0xf: {  	[smem:$0x3FB1] =	sst s7  }
0x10: {  	[smem:$0x3FB2] =	sst s8  }
0x11: {  	[smem:$0x3FB3] =	sst s9;
	s0 =	simm.s32 @!p0 $0x0  }
0x12: {  	s1 =	sld [smem:$0x3F99];
	s0 =	simm.s32 @p0 $0x1  }
0x13: {  	[smem:$0x3FB4] =	sst s0;
	s0 =	simm.s32 @!p1 $0x0  }
0x14: {  	s2 =	sld [smem:$0x3F98];
	s0 =	simm.s32 @p1 $0x1  }
0x15: {  	[smem:$0x3FB5] =	sst s0;
	s0 =	simm.s32 @!p2 $0x0  }
0x16: {  	s3 =	sld [smem:$0x3FDB];
	s0 =	simm.s32 @p2 $0x1  }
0x17: {  	s4 =	simm.s32 $0x1BF5;
	[smem:$0x3FB7] =	sst s0  }
0x18: {  	s0 =	sld [smem:$0x3F9A];
	_ =	swait.ge [sflag:s4], $0x0  }
0x19: {  	s7 =	sld [smem:$0x3F9B]  }
0x1a: {  	s8 =	sadd.s32 $0xFFFFE003, lr  }
0x1b: {  	s9 =	sadd.s32 $0xFFFFFEF7, lr;
	s5 =	simm.s32 $0xFFFFFFFF;
	p2 =	slt.u32 s8, $0xFFFFF086  }
0x1c: {  	p1 =	slt.u32 s9, $0xF7A;
	s5 =	simm.s32 @!p2 $0x0  }
0x1d: {  	s5 =	simm.s32 @p1 $0x1;
	p0 =	seq.s32 s7, s2  }
0x1e: {  	s7 =	smul.u32 @!p0 $0xF7A, s2;
	p2 =	seq.s32 @!p0 s5, $0x0  }
0x1f: {  	s9 =	smul.u32 $0xF7A, s1;
	s8 =	simm.s32 @!p0 $0x1BF5;
	p2 =	por !p2, p0  }
0x20: {  	[sflag:s8] =	ssyncset.s32 @!p0 $0xFFFFF086;
	s6 =	sadd.s32 @!p0 s3, s7;
	s7 =	simm.s32 @!p0 $0x108  }
0x21: {  	s3 =	sadd.s32 s3, s9;
	s6 =	sadd.s32 @!p0 $0x88, s6;
	s7 =	simm.s32 @p2 $0x1082  }
0x22: {  	[simem:s7], [sflag:s8] =	dma.local @!p0 [hbm:s6], $0xF7A  }
0x23: {  	s9 =	sor.u32 $0xD0000000, s2;
	s6 =	simm.s32 $0x108;
	_ =	swait.ge @!p0 [sflag:s8], $0x0  }
0x24: {  	s3 =	sadd.s32 $0x88, s3;
	s6 =	simm.s32 @!p1 $0x1082;
	[sflag:s4] =	ssyncset.s32 $0xFFFFF086  }
0x25: {  	[simem:s6], [sflag:s4] =	dma.local [hbm:s3], $0xF7A  }
0x26: {  	[smem:$0x3F9B] =	sst s1;
	(tag) =	ssettag s2;
	_ =	strace s9  }
0x27: {  	s1 =	sld [smem:$0x3FAB]  }
0x28: {  	s2 =	sld [smem:$0x3FAC]  }
0x29: {  	s4 =	sld [smem:$0x3FAE]  }
0x2a: {  	p0 =	seq.s32 s5, $0x0;
	s5 =	sld [smem:$0x3FAF]  }
0x2b: {  	s6 =	sld [smem:$0x3FB0]  }
0x2c: {  	s7 =	sld [smem:$0x3FB1]  }
0x2d: {  	s3 =	simm.s32 $0x108;
	s8 =	sld [smem:$0x3FB2]  }
0x2e: {  	s3 =	simm.s32 @!p0 $0x1082;
	s9 =	sld [smem:$0x3FB3]  }
0x2f: {  	lr =	sadd.s32 s0, s3;
	s0 =	sld [smem:$0x3FAA]  }
0x30: {  	s3 =	sld [smem:$0x3FAD]  }
0x31: {  	[smem:$0x3FB6] =	sst s10  }
0x32: {  	s10 =	sld [smem:$0x3FB4];
	_ =	sdelay $0x3  }
0x33: {  	p0 =	seq.s32 s10, $0x1;
	s10 =	sld [smem:$0x3FB6];
	_ =	sdelay $0x3  }
0x34: {  	[smem:$0x3FB6] =	sst s10  }
0x35: {  	s10 =	sld [smem:$0x3FB5];
	_ =	sdelay $0x3  }
0x36: {  	p1 =	seq.s32 s10, $0x1;
	s10 =	sld [smem:$0x3FB6];
	_ =	sdelay $0x3  }
0x37: {  	[smem:$0x3FB6] =	sst s10  }
0x38: {  	s10 =	sld [smem:$0x3FB7]  }
0x39: {  	_ = 	snop;
	(pc) =	sbr.ind lr, $3  }
0x3a: {  	_ = 	snop  }
0x3b: {  	_ = 	snop  }
0x3c: {  	p2 =	seq.s32 s10, $0x1;
	s10 =	sld [smem:$0x3FB6]  }
0x3d: {  	_ =	shalt  }
0x3e: {  	_ =	shalt  }
0x3f: {  	_ =	shalt  }
0x40: {  	_ =	shalt  }
0x41: {  	_ =	shalt  }
0x42: {  	_ =	shalt  }
0x43: {  	_ =	shalt  }
0x44: {  	_ =	shalt  }
0x45: {  	_ =	shalt  }
0x46: {  	_ =	shalt  }
0x47: {  	_ =	shalt  }
0x48: {  	_ =	shalt  }
0x49: {  	_ =	shalt  }
0x4a: {  	_ =	shalt  }
0x4b: {  	_ =	shalt  }
0x4c: {  	_ =	shalt  }
0x4d: {  	_ =	shalt  }
0x4e: {  	_ =	shalt  }
0x4f: {  	_ =	shalt  }
0x50: {  	_ =	shalt  }
0x51: {  	_ =	shalt  }
0x52: {  	_ =	shalt  }
0x53: {  	_ =	shalt  }
0x54: {  	_ =	shalt  }
0x55: {  	_ =	shalt  }
0x56: {  	_ =	shalt  }
0x57: {  	_ =	shalt  }
0x58: {  	_ =	shalt  }
0x59: {  	_ =	shalt  }
0x5a: {  	_ =	shalt  }
0x5b: {  	_ =	shalt  }
0x5c: {  	_ =	shalt  }
0x5d: {  	_ =	shalt  }
0x5e: {  	_ =	shalt  }
0x5f: {  	_ =	shalt  }
0x60: {  	_ =	shalt  }
0x61: {  	_ =	shalt  }
0x62: {  	_ =	shalt  }
0x63: {  	_ =	shalt  }
0x64: {  	_ =	shalt  }
0x65: {  	_ =	shalt  }
0x66: {  	_ =	shalt  }
0x67: {  	_ =	shalt  }
0x68: {  	_ =	shalt  }
0x69: {  	_ =	shalt  }
0x6a: {  	_ =	shalt  }
0x6b: {  	_ =	shalt  }
0x6c: {  	_ =	shalt  }
0x6d: {  	_ =	shalt  }
0x6e: {  	_ =	shalt  }
0x6f: {  	_ =	shalt  }
0x70: {  	_ =	shalt  }
0x71: {  	_ =	shalt  }
0x72: {  	_ =	shalt  }
0x73: {  	_ =	shalt  }
0x74: {  	_ =	shalt  }
0x75: {  	_ =	shalt  }
0x76: {  	_ =	shalt  }
0x77: {  	_ =	shalt  }
0x78: {  	_ =	shalt  }
0x79: {  	_ =	shalt  }
0x7a: {  	_ =	shalt  }
0x7b: {  	_ =	shalt  }
0x7c: {  	_ =	shalt  }
0x7d: {  	_ =	shalt  }
0x7e: {  	_ =	shalt  }
0x7f: {  	_ =	shalt  }
0x80: {  	_ =	shalt  }
0x81: {  	_ =	shalt  }
0x82: {  	_ =	shalt  }
0x83: {  	_ =	shalt  }
0x84: {  	_ =	shalt  }
0x85: {  	_ =	shalt  }
0x86: {  	_ =	shalt  }
0x87: {  	_ =	shalt  }
.Lfunc_end0:
.L_simem_size_0:
called_computation.1_lowered:
.L_overlay_start_0:
0x88: {  	s2 =	sld [smem:$0x3FD9]  }
0x89: {  	s3 =	sld [smem:$0x3FFE];
	_ =	sdelay $0x1  }
0x8a: {  	s1 =	srdreg.scid  }
0x8b: {  	s0 =	sand.u32 $0x1, s1  }
0x8c: {  	s16 =	sshll.u32 s0, $0xA;
	s2 =	sadd.s32 s3, s2  }
0x8d: {  	s2 =	sadd.s32 s2, s16  }
0x8e: {  	[smem:$0x3FC2] =	sst s2  }
0x8f: {  	_ = 	snop  }
0x90: {  	(tm) =	ssettm $0x1  }
0x91: {  	s17 =	sld [smem:$0x3FFB];
	_ =	sdelay $0x3  }
0x92: {  	_ =	strace s17  }
0x93: {  	s2 =	sld [smem:$0x3FFC];
	_ =	sdelay $0x3  }
0x94: {  	_ =	strace s2  }
0x95: {  	s2 =	sld [smem:$0x3FFD];
	_ =	sdelay $0x3  }
0x96: {  	_ =	strace s2  }
0x97: {  	_ =	strace $0x8FFFFFFF  }
0x98: {  	s18 =	sld [smem:$0x3FDB];
	_ =	sdelay $0x1  }
0x99: {  	s19 =	simm.s32 $_scs_section_size  }
0x9a: {  	s4 =	simm.s32 $_size__tile_overlayer_lowered;
	s5 =	simm.s32 $_tile_overlayer_lowered  }
0x9b: {  	s22 =	simm.s32 $0x1BFF;
	s21 =	sshll.u32 s5, $0x1;
	s2 =	sadd.s32 s19, s18  }
0x9c: {  	s6 =	simm.s32 $0x0;
	s20 =	sshll.u32 s4, $0x1;
	s4 =	sadd.s32 s21, s2  }
0x9d: {  	[timem:s6], [sflag:s22] =	dma.local [hbm:s4], s20  }
0x9e: {  	_ =	swait.ge [sflag:s22], s20  }
0x9f: {  	s3 =	ssub.s32 $0x0, s20;
	[sflag:s22] =	ssyncset.done $0x0  }
0xa0: {  	[sflag:s22] =	ssyncadd.s32 s3;
	_ =	sdelay $0x1  }
0xa1: {  	s23 =	simm.s32 $0x1B8B  }
0xa2: {  	_ =	swait.ge [sflag:s23], $0x1  }
0xa3: {  	[sflag:s23] =	ssyncset.done $0x0  }
0xa4: {  	s25 =	simm.s32 $0x1B8E;
	s24 =	sld [smem:$0x3FFE];
	[sflag:s23] =	ssyncadd.s32 $0xFFFFFFFF  }
0xa5: {  	s26 =	simm.s32 $execute0_lowered;
	[smem:$0x3FD2] =	sst s25  }
0xa6: {  	s4 =	sshll.u32 s26, $0x1;
	_ =	strace $0x80000049;
	[dreg:$0x1] =	wrdreg $0xFFFFFFFF  }
0xa7: {  	s28 =	simm.s32 $_size_execute0_lowered;
	s2 =	sadd.s32 s2, s4;
	[dreg:$0x0] =	wrdreg $0x0  }
0xa8: {  	s4 =	sshll.u32 s28, $0x1;
	[dreg:$0x2] =	wrdreg s2  }
0xa9: {  	[dreg:$0x3] =	wrdreg s4  }
0xaa: {  	[dreg:$0x4] =	wrdreg $0xC0  }
0xab: {  	_ =	task [dreg:s6], $0x5FFFF  }
0xac: {  	[dreg:$0x1] =	wrdreg $0xFFFFFFFF  }
0xad: {  	[dreg:$0x0] =	wrdreg $0x60  }
0xae: {  	[dreg:$0x2] =	wrdreg s24  }
0xaf: {  	[dreg:$0x3] =	wrdreg $0x9  }
0xb0: {  	_ =	task.clear_ibuf [dreg:s6], $0x4FFFF;
	_ =	strace $0x90000049  }
0xb1: {  	s29 =	simm.s32 $0x9;
	_ =	strace $0x8000004B  }
0xb2: {  	_ =	swait.ge [sflag:s29], $0x1  }
0xb3: {  	[sflag:s29] =	ssyncadd.s32 $0xFFFFFFFF  }
0xb4: {  	_ =	strace $0x9000004B  }
0xb5: {  	_ =	sfence  }
0xb6: {  	s30 =	sld [smem:$0x0];
	_ =	sdelay $0x2  }
0xb7: {  	s31 =	sshll.u32 s1, $0xD;
	s1 =	sshrl.u32 s1, $0x2  }
0xb8: {  	s3 =	sand.u32 $0x4000, s31;
	s1 =	sadd.s32 s1, s30  }
0xb9: {  	s0 =	sor.u32 s3, s0;
	s1 =	sshll.u32 s1, $0x11  }
0xba: {  	s0 =	sor.u32 s1, s0  }
0xbb: {  	s0 =	sadd.s32 $0x8F2B, s0  }
0xbc: {  	[sflag:s0] =	ssyncadd.remote.s32 $0x1  }
0xbd: {  	_ =	sfence.sel $0xFFFF  }
0xbe: {  	[dreg:$0x0] =	wrdreg $0xFFFFFFFF;
	(pc) =	sbr.abs _section_cstart, $3  }
0xbf: {  	[dreg:$0x1] =	wrdreg $0xFFFFFFFF  }
0xc0: {  	_ =	task.clear_ibuf [dreg:s6], $0x2FFFF;
	_ =	strace $0x9FFFFFFF  }
0xc1: {  	(tm) =	ssettm $0x7FFFFFFF  }
tec
execute0_lowered:
.L_overlay_start_1:
0x0: {  	(tag) =	ssettag $0x1  }
0x1: {  	s1 =	srdreg.scid  }
0x2: {  	s0 =	stileid.u32;
	s3 =	rddreg [dreg:$0x0]  }
0x3: {  	s2 =	simm.s32 $0x0;
	s4 =	sand.u32 $0x1, s1;
	s5 =	sshll.u32 s0, $0x1  }
0x4: {  	s12 =	simm.s32 $0xA000;
	s1 =	rddreg [dreg:$0x1];
	s5 =	sor.u32 s4, s5  }
0x5: {  	s13 =	simm.s32 $0x0;
	[smem:$0x7FF] =	sst s2;
	s5 =	smul.u32 $0x5000, s5  }
0x6: {  	s6 =	sadd.s32 $0x14A00, s3;
	s7 =	sadd.s32 $0x3CA00, s3;
	s4 =	ssub.s32 $0x2, s4  }
0x7: {  	s9 =	sadd.s32 $0x64A00, s3;
	s31 =	sshrl.u32 s4, $0x1;
	s8 =	sshrl.u32 s5, $0x3  }
0x8: {  	_ =	strace $0x8000004A;
	s11 =	ssub.s32 s4, s31;
	s10 =	sadd.s32 $0x14000, s8  }
0x9: {  	s3 =	sadd.s32 s6, s8;
	s5 =	sadd.s32 s7, s8;
	s4 =	sadd.s32 s6, s10  }
0xa: {  	s6 =	sadd.s32 s7, s10;
	s7 =	sadd.s32 s9, s8;
	s8 =	sadd.s32 s9, s10  }
0xb: {  	s9 =	smax.u32 s11, $0x1;
	s10 =	simm.s32 $0x1;
	s11 =	simm.s32 $0xF000  }
.LBB2_1:
0xc: {  	[tilespmem:s2], [sflag:$0x1] =	stream.linear.gather [hbm4b:s3+s2], $0x5000, $0x38;
	[tilespmem:$0x14000] =	vst v63  }
0xd: {  	_ =	swait.ge [sflag:s10], $0x5000  }
0xe: {  	[sflag:s10] =	ssyncset.done $0x0  }
0xf: {  	s14 =	simm.s32 $0x5000;
	[sflag:s10] =	ssyncadd.s32 $0xFFFFB000  }
0x10: {  	[tilespmem:s14], [sflag:$0x1] =	stream.linear.gather [hbm4b:s4+s2], $0x5000, $0x38;
	[tilespmem:$0x14000] =	vst v63  }
0x11: {  	_ =	swait.ge [sflag:s10], $0x5000  }
0x12: {  	[sflag:s10] =	ssyncset.done $0x0  }
0x13: {  	[sflag:s10] =	ssyncadd.s32 $0xFFFFB000  }
0x14: {  	[tilespmem:s12], [sflag:$0x1] =	stream.linear.gather [hbm4b:s5+s2], $0x5000, $0x38;
	[tilespmem:$0x14000] =	vst v63  }
0x15: {  	_ =	swait.ge [sflag:s10], $0x5000  }
0x16: {  	[sflag:s10] =	ssyncset.done $0x0  }
0x17: {  	[sflag:s10] =	ssyncadd.s32 $0xFFFFB000  }
0x18: {  	[tilespmem:s11], [sflag:$0x1] =	stream.linear.gather [hbm4b:s6+s2], $0x5000, $0x38;
	[tilespmem:$0x14000] =	vst v63  }
0x19: {  	_ =	swait.ge [sflag:s10], $0x5000  }
0x1a: {  	[sflag:s10] =	ssyncset.done $0x0  }
0x1b: {  	[sflag:s10] =	ssyncadd.s32 $0xFFFFB000  }
0x1c: {  	v0 =	vld [tilespmem:s2+$0x0]  }
0x1d: {  	v1 =	vld [tilespmem:s14+$0x0];
	_ =	sdelay $0x4  }
0x1e: {  	v2 =	vld [tilespmem:s12+$0x0];
	vm0 =	vgt.s16 v0, v1  }
0x1f: {  	v0 =	vsel vm0, v0, v1  }
0x20: {  	vm0 =	vlt.s16 v0, $0x0;
	v1 =	vxor.u32 $0x7FFF7FFF, v0  }
0x21: {  	v0 =	vsel vm0, v1, v0  }
0x22: {  	v1 =	vshll.u32 v0, $0x10  }
0x23: {  	v1 =	vsub.f32 v1, v2;
	_ =	sdelay $0x1  }
0x24: {  	s18 =	sand.u32 $0x7FF0, s2;
	[tilespmem:s12+$0x0] =	vst v1  }
0x25: {  	v1 =	vld [tilespmem:s18+$0xF000];
	_ =	sdelay $0x3  }
0x26: {  	v0 =	vand.u32 $0xFFFF0000, v0  }
0x27: {  	s15 =	simm.s32 $0x10;
	s16 =	simm.s32 $0x0;
	s17 =	simm.s32 $0xA000;
	v0 =	vsub.f32 v0, v1  }
.LBB2_2:
0x28: {  	_ = 	snop  }
0x29: {  	s16 =	sadd.s32 $0x10, s16;
	s14 =	sadd.s32 $0x10, s14;
	s17 =	sadd.s32 $0x10, s17;
	[tilespmem:s18+$0xF000] =	vst v0  }
0x2a: {  	p0 =	sne.s32 s15, $0x4FF0;
	s18 =	smov.u32 s15;
	s15 =	sadd.s32 $0x10, s15;
	v0 =	vld [tilespmem:s16+$0x0]  }
0x2b: {  	v1 =	vld [tilespmem:s14+$0x0];
	_ =	sdelay $0x4  }
0x2c: {  	vm0 =	vgt.s16 v0, v1;
	v2 =	vld [tilespmem:s17+$0x0]  }
0x2d: {  	v0 =	vsel vm0, v0, v1  }
0x2e: {  	vm0 =	vlt.s16 v0, $0x0;
	v1 =	vxor.u32 $0x7FFF7FFF, v0  }
0x2f: {  	v0 =	vsel vm0, v1, v0  }
0x30: {  	v1 =	vshll.u32 v0, $0x10  }
0x31: {  	v1 =	vsub.f32 v1, v2;
	_ =	sdelay $0x1  }
0x32: {  	s18 =	sand.u32 $0x7FF0, s18;
	[tilespmem:s17+$0x0] =	vst v1  }
0x33: {  	v1 =	vld [tilespmem:s18+$0xF000]  }
.Ltmp0:
0x34: {  	(pc) =	sbr.rel @p0 .LBB2_2-.Ltmp0, $3  }
0x35: {  	_ =	sdelay $0x1  }
0x36: {  	v0 =	vand.u32 $0xFFFF0000, v0  }
0x37: {  	v0 =	vsub.f32 v0, v1  }
0x38: {  	_ = 	snop  }
0x39: {  	[tilespmem:s18+$0xF000] =	vst v0  }
0x3a: {  	[hbm4b:s7+s2] =	stream.linear.scatter [tilespmem:s12], [sflag:$0x1], $0x5000, $0x38;
	[tilespmem:$0x14000] =	vst v63  }
0x3b: {  	s13 =	sadd.s32 $0x1, s13;
	_ =	swait.ge [sflag:s10], $0x5000  }
0x3c: {  	p0 =	sne.s32 s13, s9;
	[sflag:s10] =	ssyncset.done $0x0  }
.Ltmp1:
0x3d: {  	[sflag:s10] =	ssyncadd.s32 $0xFFFFB000;
	(pc) =	sbr.rel @p0 .LBB2_1-.Ltmp1, $4  }
0x3e: {  	[hbm4b:s8+s2] =	stream.linear.scatter [tilespmem:s11], [sflag:$0x1], $0x5000, $0x38;
	[tilespmem:$0x14000] =	vst v63  }
0x3f: {  	_ =	swait.ge [sflag:s10], $0x5000  }
0x40: {  	[sflag:s10] =	ssyncset.done $0x0  }
0x41: {  	[sflag:s10] =	ssyncadd.s32 $0xFFFFB000  }
0x42: {  	_ =	sfence.sel $0x180000  }
0x43: {  	[bflag:$0x0] =	sbarrier.arrive $0xFFFF  }
0x44: {  	p0 =	sne.s32 s0, $0x0;
	_ =	strace $0x9000004A  }
0x45: {  	s0 =	sadd.s32 @!p0 $0x100000, s1;
	[bflag:$0x2] =	sbarrier.arrive $0xFFFF  }
0x46: {  	[sflag:s0] =	ssyncadd.tile.s32 @!p0 $0x1;
	_ =	shalt  }
.Lfunc_end2:
_tile_overlayer_lowered:
.L_overlay_start_2:
0x47: {  	(tag) =	ssettag $0x2  }
0x48: {  	s0 =	rddreg [dreg:$0x0];
	s2 =	stileid.u32  }
0x49: {  	s1 =	rddreg [dreg:$0x1];
	p0 =	sne.s32 s2, $0x0  }
0x4a: {  	s3 =	rddreg [dreg:$0x2];
	[bflag:$0x3] =	sbarrier.arrive $0xFFFF;
	s2 =	simm.s32 @!p0 $0x1C01  }
0x4b: {  	[timem:s3], [sflag:s2] =	dma.local @!p0 [hbm:s0], s1  }
0x4c: {  	s0 =	simm.s32 @!p0 $0x1  }
0x4d: {  	_ =	swait.ge @!p0 [sflag:s0], s1  }
0x4e: {  	s1 =	ssub.s32 @!p0 $0x0, s1;
	[sflag:s0] =	ssyncset.done @!p0 $0x0  }
0x4f: {  	[sflag:s0] =	ssyncadd.s32 @!p0 s1  }
0x50: {  	[bflag:$0x3] =	sbarrier.arrive $0xFFFF  }
0x51: {  	_ =	shalt  }

</sc_bundles>
